<compile_context>
chip_gen: v7x
topology: tpu7x:2x2x1
jax: 0.10.2.dev20260603
libtpu: 0.0.44.dev20260713+nightly
codegen_flags: <defaults>
</compile_context>

<pallas_src>
import functools

import jax
import jax.numpy as jnp
from jax import lax
from jax.experimental import pallas as pl
from jax.experimental.pallas import tpu as pltpu
from jax.experimental.pallas import tpu_sc as plsc

B = 16384
S = 50
D = 64
N = B * S

WIN = 512


def _emb_body(table_tile, idx_vmem, out_vmem):
    pltpu.sync_copy(table_tile.at[idx_vmem.at[0]], out_vmem)


def _kernel_body(idx_hbm, w_hbm, out, w_sp):
    sid = lax.axis_index("subcore")

    @pl.when(sid == 0)
    def _stage():
        pltpu.sync_copy(w_hbm, w_sp)

    plsc.subcore_barrier()

    pltpu.emit_pipeline(
        functools.partial(_emb_body, w_sp),
        grid=(N // WIN,),
        in_specs=[pl.BlockSpec((1, WIN), index_map=lambda i: (0, i))],
        out_specs=[pl.BlockSpec((WIN, D), index_map=lambda i: (i, 0))],
        core_axis_name=("core", "subcore"),
        dimension_semantics=(pltpu.PARALLEL,),
    )(idx_hbm, out)


def _gather(idx, W):
    mesh = plsc.VectorSubcoreMesh(core_axis_name="core",
                                  subcore_axis_name="subcore")
    k = pl.kernel(_kernel_body, mesh=mesh,
                  out_type=jax.ShapeDtypeStruct((N, D), jnp.float32),
                  scratch_types=[pltpu.VMEM_SHARED(W.shape, jnp.float32)],
                  compiler_params=pltpu.CompilerParams(
                      use_tc_tiling_on_sc=False))
    return k(idx.reshape(1, N), W)


BC = 256


def _tr_body(x_ref, o_ref):
    o_ref[...] = x_ref[...].reshape(BC, S * D).T


def _format(y):
    y2 = y.reshape(N // 2, 2 * D)
    p2 = pl.pallas_call(
        _tr_body,
        grid=(B // BC,),
        in_specs=[pl.BlockSpec((BC * S // 2, 2 * D), lambda i: (i, 0))],
        out_specs=pl.BlockSpec((S * D, BC), lambda i: (0, i)),
        out_shape=jax.ShapeDtypeStruct((S * D, B), jnp.float32),
    )(y2)
    return p2.reshape(S, D, B).transpose(2, 0, 1)


def kernel(hour, week, W_hour, W_week):
    week_e = _gather(week, W_week)
    hour_e = _gather(hour, W_hour)
    return (_format(week_e), _format(hour_e))

# --- scband reference (transcript-rebuilt; emitter-appended) ---
"""Pipeline reference for scband-temporal-embedding-22823456211548 (READ-ONLY COPY).

The authoritative reference and input builder live on the scoring server;
editing this copy changes nothing except your own understanding.
"""

import jax, jax.numpy as jnp
import numpy as np


def setup_inputs(seed: int = 0) -> dict:
    key = jax.random.key(seed)
    k1, k2, k3, k4 = jax.random.split(key, 4)
    hour = jax.random.randint(k1, (16384, 50), 0, 25, dtype=jnp.int64) if jax.config.jax_enable_x64 else jax.random.randint(k1, (16384, 50), 0, 25, dtype=jnp.int32)
    week = jax.random.randint(k2, (16384, 50), 0, 8, dtype=jnp.int32)
    hour = hour.astype(jnp.int32)
    W_hour = jax.random.normal(k3, (25, 64), dtype=jnp.float32)
    W_week = jax.random.normal(k4, (8, 64), dtype=jnp.float32)
    return {"hour": hour, "week": week, "W_hour": W_hour, "W_week": W_week}


def reference(hour, week, W_hour, W_week):
    # TemporalEmbedding.forward: batch dict lookup into two nn.Embedding tables
    hour_e = jnp.take(W_hour, hour, axis=0)
    week_e = jnp.take(W_week, week, axis=0)
    # ret_time = {'week': week_e, 'hour': hour_e} -> returned as tuple (week, hour)
    return (week_e, hour_e)

if __name__ == "__main__":
    import jax
    _d = setup_inputs()
    print(jax.jit(kernel)(*tuple(_d.values())))

</pallas_src>

<mosaic_0001>
#map = affine_map<(d0, d1) -> (0, 0)>
module attributes {stable_mosaic.version = 14 : i64} {
  func.func @_kernel_body(%arg0: i32, %arg1: i32, %arg2: memref<1x819200xi32, #tpu.memory_space<hbm>>, %arg3: memref<25x64xf32, #tpu.memory_space<hbm>>, %arg4: memref<819200x64xf32, #tpu.memory_space<hbm>>, %arg5: memref<25x64xf32, #tpu.memory_space<vmem_shared>>) attributes {dimension_semantics = [#tpu.dimension_semantics<core_parallel>, #tpu.dimension_semantics<subcore_parallel>], iteration_bounds = array<i64: 2, 16>, scalar_prefetch = 0 : i64, scratch_operands = 1 : i64, tpu.core_type = #tpu.core_type<sc_vector_subcore>, window_params = [{transform_indices = #map}, {transform_indices = #map}, {transform_indices = #map}]} {
    %eq3A = arith.constant 0 : i32
    %eq3A_0 = arith.cmpi eq, %arg1, %eq3A : i32
    %convert_element_type3A = arith.extui %eq3A_0 : i1 to i32
    %cond3A = arith.constant 0 : i32
    %cond3A_1 = arith.cmpi ne, %convert_element_type3A, %cond3A : i32
    scf.if %cond3A_1 {
      "tpu.region"() ({
        %run_scoped3A = tpu.sem_alloc : memref<!tpu.dma_semaphore, #tpu.memory_space<semaphore_mem>>
        tpu.enqueue_dma source(%arg3 : memref<25x64xf32, #tpu.memory_space<hbm>>) target(%arg5 : memref<25x64xf32, #tpu.memory_space<vmem_shared>>) target_semaphore(%run_scoped3A : memref<!tpu.dma_semaphore, #tpu.memory_space<semaphore_mem>>)
        tpu.wait_dma2 semaphore(%run_scoped3A : memref<!tpu.dma_semaphore, #tpu.memory_space<semaphore_mem>>) src(%arg3 : memref<25x64xf32, #tpu.memory_space<hbm>>) dst(%arg5 : memref<25x64xf32, #tpu.memory_space<vmem_shared>>)
        tpu.yield
      }) : () -> ()
    } else {
    }
    %barrier3A = arith.constant 0 : index
    tpu.barrier barrier_id(%barrier3A)
    %mul3A = arith.constant 1 : i32
    %mul3A_2 = arith.muli %arg1, %mul3A : i32
    %add3A = arith.constant 0 : i32
    %add3A_3 = arith.addi %add3A, %mul3A_2 : i32
    %mul3A_4 = arith.constant 16 : i32
    %mul3A_5 = arith.muli %arg0, %mul3A_4 : i32
    %add3A_6 = arith.addi %add3A_3, %mul3A_5 : i32
    %mul3A_7 = arith.constant 50 : i32
    %mul3A_8 = arith.muli %add3A_6, %mul3A_7 : i32
    "tpu.region"() ({
      %run_scoped3A = memref.alloca() : memref<2x1x512xi32, #tpu.memory_space<vmem>>
      %run_scoped3A_9 = tpu.sem_alloc : memref<2x!tpu.dma_semaphore, #tpu.memory_space<semaphore_mem>>
      %run_scoped3A_10 = memref.alloca() : memref<2x512x64xf32, #tpu.memory_space<vmem>>
      %run_scoped3A_11 = tpu.sem_alloc : memref<2x!tpu.dma_semaphore, #tpu.memory_space<semaphore_mem>>
      %add3A_12 = arith.constant 0 : i32
      %add3A_13 = arith.addi %add3A_12, %mul3A_8 : i32
      %select_n3A = arith.constant true
      %select_n3A_14 = arith.constant 0 : i32
      %select_n3A_15 = arith.constant -1 : i32
      %select_n3A_16 = arith.select %select_n3A, %select_n3A_15, %select_n3A_14 : i32
      %eq3A_17 = arith.constant -1 : i32
      %eq3A_18 = arith.cmpi eq, %select_n3A_16, %eq3A_17 : i32
      %select_n3A_19 = arith.constant 49 : i32
      %select_n3A_20 = arith.select %eq3A_18, %select_n3A_19, %select_n3A_16 : i32
      %add3A_21 = arith.addi %select_n3A_20, %mul3A_8 : i32
      %select_n3A_22 = arith.constant true
      %select_n3A_23 = arith.constant 0 : i32
      %select_n3A_24 = arith.constant 1 : i32
      %select_n3A_25 = arith.select %select_n3A_22, %select_n3A_24, %select_n3A_23 : i32
      %eq3A_26 = arith.constant 50 : i32
      %eq3A_27 = arith.cmpi eq, %select_n3A_25, %eq3A_26 : i32
      %select_n3A_28 = arith.constant 0 : i32
      %select_n3A_29 = arith.select %eq3A_27, %select_n3A_28, %select_n3A_25 : i32
      %add3A_30 = arith.addi %select_n3A_29, %mul3A_8 : i32
      %add3A_31 = arith.constant 1 : i32
      %add3A_32 = arith.addi %select_n3A_29, %add3A_31 : i32
      %select_n3A_33 = arith.constant true
      %select_n3A_34 = arith.select %select_n3A_33, %add3A_32, %select_n3A_29 : i32
      %eq3A_35 = arith.constant 50 : i32
      %eq3A_36 = arith.cmpi eq, %select_n3A_34, %eq3A_35 : i32
      %select_n3A_37 = arith.constant 0 : i32
      %select_n3A_38 = arith.select %eq3A_36, %select_n3A_37, %select_n3A_34 : i32
      %add3A_39 = arith.addi %select_n3A_38, %mul3A_8 : i32
      "tpu.trace_start"() <{level = 10 : i32, message = "ep_initialize_0"}> : () -> ()
      %rem3A = arith.constant 0 : i32
      %rem3A_40 = arith.constant 2 : i32
      %rem3A_41 = arith.remui %rem3A, %rem3A_40 : i32
      %mul3A_42 = arith.constant 512 : i32
      %mul3A_43 = arith.muli %mul3A_42, %add3A_13 : i32
      %dma_start3A = arith.constant 0 : i32
      %dma_start3A_44 = arith.constant 0 : i32
      %dma_start3A_45 = tpu.memref_slice %run_scoped3A[%rem3A_41, %dma_start3A, %dma_start3A_44] : memref<2x1x512xi32, #tpu.memory_space<vmem>> -> memref<1x1x512xi32, #tpu.memory_space<vmem>>
      %dma_start3A_46 = tpu.memref_squeeze %dma_start3A_45 : memref<1x1x512xi32, #tpu.memory_space<vmem>> -> memref<1x512xi32, #tpu.memory_space<vmem>>
      %dma_start3A_47 = arith.constant 0 : i32
      %dma_start3A_48 = tpu.memref_slice %arg2[%dma_start3A_47, %mul3A_43] : memref<1x819200xi32, #tpu.memory_space<hbm>> -> memref<1x512xi32, #tpu.memory_space<hbm>>
      %dma_start3A_49 = tpu.memref_slice %run_scoped3A_9[%rem3A_41] : memref<2x!tpu.dma_semaphore, #tpu.memory_space<semaphore_mem>> -> memref<1x!tpu.dma_semaphore, #tpu.memory_space<semaphore_mem>>
      %dma_start3A_50 = tpu.memref_squeeze %dma_start3A_49 : memref<1x!tpu.dma_semaphore, #tpu.memory_space<semaphore_mem>> -> memref<!tpu.dma_semaphore, #tpu.memory_space<semaphore_mem>>
      %dma_start3A_51 = arith.constant 0 : i32
      %dma_start3A_52 = arith.constant 0 : i32
      %dma_start3A_53 = tpu.memref_slice %run_scoped3A[%rem3A_41, %dma_start3A_51, %dma_start3A_52] : memref<2x1x512xi32, #tpu.memory_space<vmem>> -> memref<1x1x512xi32, #tpu.memory_space<vmem>>
      %dma_start3A_54 = tpu.memref_squeeze %dma_start3A_53 : memref<1x1x512xi32, #tpu.memory_space<vmem>> -> memref<1x512xi32, #tpu.memory_space<vmem>>
      %dma_start3A_55 = arith.constant 0 : i32
      %dma_start3A_56 = tpu.memref_slice %arg2[%dma_start3A_55, %mul3A_43] : memref<1x819200xi32, #tpu.memory_space<hbm>> -> memref<1x512xi32, #tpu.memory_space<hbm>>
      tpu.enqueue_dma source(%dma_start3A_56 : memref<1x512xi32, #tpu.memory_space<hbm>>) target(%dma_start3A_54 : memref<1x512xi32, #tpu.memory_space<vmem>>) target_semaphore(%dma_start3A_50 : memref<!tpu.dma_semaphore, #tpu.memory_space<semaphore_mem>>)
      %add3A_57 = arith.constant 0 : i32
      %add3A_58 = arith.constant 1 : i32
      %add3A_59 = arith.addi %add3A_57, %add3A_58 : i32
      %select_n3A_60 = arith.constant true
      %select_n3A_61 = arith.constant 0 : i32
      %select_n3A_62 = arith.select %select_n3A_60, %add3A_59, %select_n3A_61 : i32
      "tpu.trace_stop"() : () -> ()
      %scan3A = arith.constant 0 : i32
      %scan3A_63 = arith.constant 0 : i32
      %scan3A_64 = arith.constant 0 : i32
      %scan3A_65 = arith.constant 0 : i32
      %scan3A_66 = arith.constant 0 : i32
      %scan3A_67 = arith.constant 50 : i32
      %scan3A_68 = arith.addi %scan3A_66, %scan3A_67 : i32
      %scan3A_69 = arith.constant 1 : i32
      %scan3A_70:5 = scf.for %scan3A_124 = %scan3A_66 to %scan3A_68 step %scan3A_69 iter_args(%scan3A_125 = %select_n3A_62, %scan3A_126 = %scan3A, %scan3A_127 = %scan3A_63, %scan3A_128 = %scan3A_64, %scan3A_129 = %scan3A_65) -> (i32, i32, i32, i32, i32)  : i32 {
        %eq3A_130 = arith.constant 0 : i32
        %eq3A_131 = arith.cmpi eq, %scan3A_124, %eq3A_130 : i32
        %eq3A_132 = arith.constant 49 : i32
        %eq3A_133 = arith.cmpi eq, %scan3A_124, %eq3A_132 : i32
        %add3A_134 = arith.addi %scan3A_129, %mul3A_8 : i32
        %sub3A_135 = arith.constant 1 : i32
        %sub3A_136 = arith.subi %scan3A_129, %sub3A_135 : i32
        %select_n3A_137 = arith.constant true
        %select_n3A_138 = arith.select %select_n3A_137, %sub3A_136, %scan3A_129 : i32
        %eq3A_139 = arith.constant -1 : i32
        %eq3A_140 = arith.cmpi eq, %select_n3A_138, %eq3A_139 : i32
        %select_n3A_141 = arith.constant 49 : i32
        %select_n3A_142 = arith.select %eq3A_140, %select_n3A_141, %select_n3A_138 : i32
        %add3A_143 = arith.addi %select_n3A_142, %mul3A_8 : i32
        %add3A_144 = arith.constant 1 : i32
        %add3A_145 = arith.addi %scan3A_129, %add3A_144 : i32
        %select_n3A_146 = arith.constant true
        %select_n3A_147 = arith.select %select_n3A_146, %add3A_145, %scan3A_129 : i32
        %eq3A_148 = arith.constant 50 : i32
        %eq3A_149 = arith.cmpi eq, %select_n3A_147, %eq3A_148 : i32
        %select_n3A_150 = arith.constant 0 : i32
        %select_n3A_151 = arith.select %eq3A_149, %select_n3A_150, %select_n3A_147 : i32
        %add3A_152 = arith.addi %select_n3A_151, %mul3A_8 : i32
        %add3A_153 = arith.constant 1 : i32
        %add3A_154 = arith.addi %select_n3A_151, %add3A_153 : i32
        %select_n3A_155 = arith.constant true
        %select_n3A_156 = arith.select %select_n3A_155, %add3A_154, %select_n3A_151 : i32
        %eq3A_157 = arith.constant 50 : i32
        %eq3A_158 = arith.cmpi eq, %select_n3A_156, %eq3A_157 : i32
        %select_n3A_159 = arith.constant 0 : i32
        %select_n3A_160 = arith.select %eq3A_158, %select_n3A_159, %select_n3A_156 : i32
        %add3A_161 = arith.addi %select_n3A_160, %mul3A_8 : i32
        %ne3A = arith.cmpi ne, %add3A_134, %add3A_152 : i32
        %or3A = arith.constant false
        %or3A_162 = arith.ori %or3A, %ne3A : i1
        %ge3A = arith.constant 49 : i32
        %ge3A_163 = arith.cmpi sge, %scan3A_124, %ge3A : i32
        %not3A = arith.constant true
        %not3A_164 = arith.xori %ge3A_163, %not3A : i1
        %and3A = arith.andi %or3A_162, %not3A_164 : i1
        %convert_element_type3A_165 = arith.extui %and3A : i1 to i32
        %cond3A_166 = arith.constant 0 : i32
        %cond3A_167 = arith.cmpi ne, %convert_element_type3A_165, %cond3A_166 : i32
        scf.if %cond3A_167 {
          "tpu.trace_start"() <{level = 10 : i32, message = "ep_copy_in"}> : () -> ()
          %rem3A_269 = arith.constant 2 : i32
          %rem3A_270 = arith.remui %scan3A_125, %rem3A_269 : i32
          %mul3A_271 = arith.constant 512 : i32
          %mul3A_272 = arith.muli %mul3A_271, %add3A_152 : i32
          %dma_start3A_273 = arith.constant 0 : i32
          %dma_start3A_274 = arith.constant 0 : i32
          %dma_start3A_275 = tpu.memref_slice %run_scoped3A[%rem3A_270, %dma_start3A_273, %dma_start3A_274] : memref<2x1x512xi32, #tpu.memory_space<vmem>> -> memref<1x1x512xi32, #tpu.memory_space<vmem>>
          %dma_start3A_276 = tpu.memref_squeeze %dma_start3A_275 : memref<1x1x512xi32, #tpu.memory_space<vmem>> -> memref<1x512xi32, #tpu.memory_space<vmem>>
          %dma_start3A_277 = arith.constant 0 : i32
          %dma_start3A_278 = tpu.memref_slice %arg2[%dma_start3A_277, %mul3A_272] : memref<1x819200xi32, #tpu.memory_space<hbm>> -> memref<1x512xi32, #tpu.memory_space<hbm>>
          %dma_start3A_279 = tpu.memref_slice %run_scoped3A_9[%rem3A_270] : memref<2x!tpu.dma_semaphore, #tpu.memory_space<semaphore_mem>> -> memref<1x!tpu.dma_semaphore, #tpu.memory_space<semaphore_mem>>
          %dma_start3A_280 = tpu.memref_squeeze %dma_start3A_279 : memref<1x!tpu.dma_semaphore, #tpu.memory_space<semaphore_mem>> -> memref<!tpu.dma_semaphore, #tpu.memory_space<semaphore_mem>>
          %dma_start3A_281 = arith.constant 0 : i32
          %dma_start3A_282 = arith.constant 0 : i32
          %dma_start3A_283 = tpu.memref_slice %run_scoped3A[%rem3A_270, %dma_start3A_281, %dma_start3A_282] : memref<2x1x512xi32, #tpu.memory_space<vmem>> -> memref<1x1x512xi32, #tpu.memory_space<vmem>>
          %dma_start3A_284 = tpu.memref_squeeze %dma_start3A_283 : memref<1x1x512xi32, #tpu.memory_space<vmem>> -> memref<1x512xi32, #tpu.memory_space<vmem>>
          %dma_start3A_285 = arith.constant 0 : i32
          %dma_start3A_286 = tpu.memref_slice %arg2[%dma_start3A_285, %mul3A_272] : memref<1x819200xi32, #tpu.memory_space<hbm>> -> memref<1x512xi32, #tpu.memory_space<hbm>>
          tpu.enqueue_dma source(%dma_start3A_286 : memref<1x512xi32, #tpu.memory_space<hbm>>) target(%dma_start3A_284 : memref<1x512xi32, #tpu.memory_space<vmem>>) target_semaphore(%dma_start3A_280 : memref<!tpu.dma_semaphore, #tpu.memory_space<semaphore_mem>>)
          "tpu.trace_stop"() : () -> ()
        } else {
        }
        %and3A_168 = arith.constant true
        %and3A_169 = arith.andi %and3A, %and3A_168 : i1
        %add3A_170 = arith.constant 1 : i32
        %add3A_171 = arith.addi %scan3A_125, %add3A_170 : i32
        %select_n3A_172 = arith.select %and3A_169, %add3A_171, %scan3A_125 : i32
        %ne3A_173 = arith.cmpi ne, %add3A_134, %add3A_152 : i32
        %or3A_174 = arith.constant false
        %or3A_175 = arith.ori %or3A_174, %ne3A_173 : i1
        %or3A_176 = arith.constant false
        %or3A_177 = arith.ori %or3A_175, %or3A_176 : i1
        %ge3A_178 = arith.constant 49 : i32
        %ge3A_179 = arith.cmpi sge, %scan3A_124, %ge3A_178 : i32
        %not3A_180 = arith.constant true
        %not3A_181 = arith.xori %ge3A_179, %not3A_180 : i1
        %and3A_182 = arith.andi %or3A_177, %not3A_181 : i1
        %ne3A_183 = arith.cmpi ne, %add3A_134, %add3A_143 : i32
        %or3A_184 = arith.constant false
        %or3A_185 = arith.ori %or3A_184, %ne3A_183 : i1
        %or3A_186 = arith.ori %or3A_185, %eq3A_131 : i1
        %convert_element_type3A_187 = arith.extui %or3A_186 : i1 to i32
        %cond3A_188 = arith.constant 0 : i32
        %cond3A_189 = arith.cmpi ne, %convert_element_type3A_187, %cond3A_188 : i32
        scf.if %cond3A_189 {
          "tpu.trace_start"() <{level = 10 : i32, message = "ep_wait_in"}> : () -> ()
          %mul3A_269 = arith.constant 512 : i32
          %mul3A_270 = arith.muli %mul3A_269, %add3A_134 : i32
          %rem3A_271 = arith.constant 2 : i32
          %rem3A_272 = arith.remui %scan3A_126, %rem3A_271 : i32
          %dma_wait3A_273 = arith.constant 0 : i32
          %dma_wait3A_274 = arith.constant 0 : i32
          %dma_wait3A_275 = tpu.memref_slice %run_scoped3A[%rem3A_272, %dma_wait3A_273, %dma_wait3A_274] : memref<2x1x512xi32, #tpu.memory_space<vmem>> -> memref<1x1x512xi32, #tpu.memory_space<vmem>>
          %dma_wait3A_276 = tpu.memref_squeeze %dma_wait3A_275 : memref<1x1x512xi32, #tpu.memory_space<vmem>> -> memref<1x512xi32, #tpu.memory_space<vmem>>
          %dma_wait3A_277 = arith.constant 0 : i32
          %dma_wait3A_278 = tpu.memref_slice %arg2[%dma_wait3A_277, %mul3A_270] : memref<1x819200xi32, #tpu.memory_space<hbm>> -> memref<1x512xi32, #tpu.memory_space<hbm>>
          %dma_wait3A_279 = tpu.memref_slice %run_scoped3A_9[%rem3A_272] : memref<2x!tpu.dma_semaphore, #tpu.memory_space<semaphore_mem>> -> memref<1x!tpu.dma_semaphore, #tpu.memory_space<semaphore_mem>>
          %dma_wait3A_280 = tpu.memref_squeeze %dma_wait3A_279 : memref<1x!tpu.dma_semaphore, #tpu.memory_space<semaphore_mem>> -> memref<!tpu.dma_semaphore, #tpu.memory_space<semaphore_mem>>
          %dma_wait3A_281 = arith.constant 0 : i32
          %dma_wait3A_282 = arith.constant 0 : i32
          %dma_wait3A_283 = tpu.memref_slice %run_scoped3A[%rem3A_272, %dma_wait3A_281, %dma_wait3A_282] : memref<2x1x512xi32, #tpu.memory_space<vmem>> -> memref<1x1x512xi32, #tpu.memory_space<vmem>>
          %dma_wait3A_284 = tpu.memref_squeeze %dma_wait3A_283 : memref<1x1x512xi32, #tpu.memory_space<vmem>> -> memref<1x512xi32, #tpu.memory_space<vmem>>
          %dma_wait3A_285 = arith.constant 0 : i32
          %dma_wait3A_286 = tpu.memref_slice %arg2[%dma_wait3A_285, %mul3A_270] : memref<1x819200xi32, #tpu.memory_space<hbm>> -> memref<1x512xi32, #tpu.memory_space<hbm>>
          tpu.wait_dma2 semaphore(%dma_wait3A_280 : memref<!tpu.dma_semaphore, #tpu.memory_space<semaphore_mem>>) src(%dma_wait3A_286 : memref<1x512xi32, #tpu.memory_space<hbm>>) dst(%dma_wait3A_284 : memref<1x512xi32, #tpu.memory_space<vmem>>)
          "tpu.trace_stop"() : () -> ()
        } else {
        }
        %ne3A_190 = arith.cmpi ne, %add3A_134, %add3A_143 : i32
        %or3A_191 = arith.constant false
        %or3A_192 = arith.ori %or3A_191, %ne3A_190 : i1
        %or3A_193 = arith.constant false
        %or3A_194 = arith.ori %or3A_192, %or3A_193 : i1
        %or3A_195 = arith.ori %or3A_194, %eq3A_131 : i1
        %convert_element_type3A_196 = arith.extui %or3A_195 : i1 to i32
        %cond3A_197 = arith.constant 0 : i32
        %cond3A_198 = arith.cmpi ne, %convert_element_type3A_196, %cond3A_197 : i32
        scf.if %cond3A_198 {
        } else {
        }
        %rem3A_199 = arith.constant 2 : i32
        %rem3A_200 = arith.remui %scan3A_126, %rem3A_199 : i32
        %rem3A_201 = arith.constant 2 : i32
        %rem3A_202 = arith.remui %scan3A_127, %rem3A_201 : i32
        %run_scoped3A_203 = arith.constant 0 : i32
        "tpu.trace_start"() <{level = 10 : i32, message = "ep_run_kernel"}> : () -> ()
        "tpu.region"() ({
          %run_scoped3A_269 = tpu.sem_alloc : memref<!tpu.dma_semaphore, #tpu.memory_space<semaphore_mem>>
          %dma_start3A_270 = arith.constant 0 : i32
          %dma_start3A_271 = arith.constant 0 : i32
          %dma_start3A_272 = tpu.memref_slice %run_scoped3A_10[%rem3A_202, %dma_start3A_270, %dma_start3A_271] : memref<2x512x64xf32, #tpu.memory_space<vmem>> -> memref<1x512x64xf32, #tpu.memory_space<vmem>>
          %dma_start3A_273 = tpu.memref_squeeze %dma_start3A_272 : memref<1x512x64xf32, #tpu.memory_space<vmem>> -> memref<512x64xf32, #tpu.memory_space<vmem>>
          %dma_start3A_274 = arith.constant 0 : i32
          %dma_start3A_275 = arith.constant 0 : i32
          %dma_start3A_276 = tpu.memref_slice %run_scoped3A[%rem3A_200, %dma_start3A_274, %dma_start3A_275] : memref<2x1x512xi32, #tpu.memory_space<vmem>> -> memref<1x1x512xi32, #tpu.memory_space<vmem>>
          %dma_start3A_277 = tpu.memref_squeeze %dma_start3A_276 : memref<1x1x512xi32, #tpu.memory_space<vmem>> -> memref<1x512xi32, #tpu.memory_space<vmem>>
          %dma_start3A_278 = arith.constant 0 : i32
          %dma_start3A_279 = tpu.memref_slice %dma_start3A_277[%run_scoped3A_203, %dma_start3A_278] : memref<1x512xi32, #tpu.memory_space<vmem>> -> memref<1x512xi32, #tpu.memory_space<vmem>>
          %dma_start3A_280 = tpu.memref_squeeze %dma_start3A_279 : memref<1x512xi32, #tpu.memory_space<vmem>> -> memref<512xi32, #tpu.memory_space<vmem>>
          %dma_start3A_281 = arith.constant 0 : i32
          %dma_start3A_282 = arith.constant 0 : i32
          %dma_start3A_283 = tpu.memref_slice %arg5[%dma_start3A_281, %dma_start3A_282] : memref<25x64xf32, #tpu.memory_space<vmem_shared>> -> memref<25x64xf32, #tpu.memory_space<vmem_shared>>
          tpu.enqueue_indirect_dma source(%dma_start3A_283 : memref<25x64xf32, #tpu.memory_space<vmem_shared>>) target(%dma_start3A_273 : memref<512x64xf32, #tpu.memory_space<vmem>>) offsets(%dma_start3A_280 : memref<512xi32, #tpu.memory_space<vmem>>) semaphore(%run_scoped3A_269 : memref<!tpu.dma_semaphore, #tpu.memory_space<semaphore_mem>>)
          %dma_wait3A_284 = arith.constant 0 : i32
          %dma_wait3A_285 = arith.constant 0 : i32
          %dma_wait3A_286 = tpu.memref_slice %run_scoped3A_10[%rem3A_202, %dma_wait3A_284, %dma_wait3A_285] : memref<2x512x64xf32, #tpu.memory_space<vmem>> -> memref<1x512x64xf32, #tpu.memory_space<vmem>>
          %dma_wait3A_287 = tpu.memref_squeeze %dma_wait3A_286 : memref<1x512x64xf32, #tpu.memory_space<vmem>> -> memref<512x64xf32, #tpu.memory_space<vmem>>
          %dma_wait3A_288 = arith.constant 0 : i32
          %dma_wait3A_289 = arith.constant 0 : i32
          %dma_wait3A_290 = tpu.memref_slice %run_scoped3A[%rem3A_200, %dma_wait3A_288, %dma_wait3A_289] : memref<2x1x512xi32, #tpu.memory_space<vmem>> -> memref<1x1x512xi32, #tpu.memory_space<vmem>>
          %dma_wait3A_291 = tpu.memref_squeeze %dma_wait3A_290 : memref<1x1x512xi32, #tpu.memory_space<vmem>> -> memref<1x512xi32, #tpu.memory_space<vmem>>
          %dma_wait3A_292 = arith.constant 0 : i32
          %dma_wait3A_293 = tpu.memref_slice %dma_wait3A_291[%run_scoped3A_203, %dma_wait3A_292] : memref<1x512xi32, #tpu.memory_space<vmem>> -> memref<1x512xi32, #tpu.memory_space<vmem>>
          %dma_wait3A_294 = tpu.memref_squeeze %dma_wait3A_293 : memref<1x512xi32, #tpu.memory_space<vmem>> -> memref<512xi32, #tpu.memory_space<vmem>>
          %dma_wait3A_295 = arith.constant 0 : i32
          %dma_wait3A_296 = arith.constant 0 : i32
          %dma_wait3A_297 = tpu.memref_slice %arg5[%dma_wait3A_295, %dma_wait3A_296] : memref<25x64xf32, #tpu.memory_space<vmem_shared>> -> memref<25x64xf32, #tpu.memory_space<vmem_shared>>
          tpu.wait_indirect_dma semaphore(%run_scoped3A_269 : memref<!tpu.dma_semaphore, #tpu.memory_space<semaphore_mem>>) src(%dma_wait3A_297 : memref<25x64xf32, #tpu.memory_space<vmem_shared>>) dst(%dma_wait3A_287 : memref<512x64xf32, #tpu.memory_space<vmem>>)
          tpu.yield
        }) : () -> ()
        "tpu.trace_stop"() : () -> ()
        %ne3A_204 = arith.cmpi ne, %add3A_134, %add3A_152 : i32
        %or3A_205 = arith.constant false
        %or3A_206 = arith.ori %or3A_205, %ne3A_204 : i1
        %or3A_207 = arith.ori %or3A_206, %eq3A_133 : i1
        %convert_element_type3A_208 = arith.extui %or3A_207 : i1 to i32
        %cond3A_209 = arith.constant 0 : i32
        %cond3A_210 = arith.cmpi ne, %convert_element_type3A_208, %cond3A_209 : i32
        scf.if %cond3A_210 {
        } else {
        }
        %and3A_211 = arith.constant false
        %and3A_212 = arith.andi %or3A_207, %and3A_211 : i1
        %ne3A_213 = arith.cmpi ne, %add3A_134, %add3A_152 : i32
        %or3A_214 = arith.constant false
        %or3A_215 = arith.ori %or3A_214, %ne3A_213 : i1
        %or3A_216 = arith.constant false
        %or3A_217 = arith.ori %or3A_215, %or3A_216 : i1
        %or3A_218 = arith.ori %or3A_217, %eq3A_133 : i1
        %convert_element_type3A_219 = arith.extui %or3A_218 : i1 to i32
        %cond3A_220 = arith.constant 0 : i32
        %cond3A_221 = arith.cmpi ne, %convert_element_type3A_219, %cond3A_220 : i32
        scf.if %cond3A_221 {
          "tpu.trace_start"() <{level = 10 : i32, message = "ep_copy_out"}> : () -> ()
          %rem3A_269 = arith.constant 2 : i32
          %rem3A_270 = arith.remui %scan3A_127, %rem3A_269 : i32
          %mul3A_271 = arith.constant 512 : i32
          %mul3A_272 = arith.muli %mul3A_271, %add3A_134 : i32
          %dma_start3A_273 = arith.constant 0 : i32
          %dma_start3A_274 = arith.constant 0 : i32
          %dma_start3A_275 = tpu.memref_slice %run_scoped3A_10[%rem3A_270, %dma_start3A_273, %dma_start3A_274] : memref<2x512x64xf32, #tpu.memory_space<vmem>> -> memref<1x512x64xf32, #tpu.memory_space<vmem>>
          %dma_start3A_276 = tpu.memref_squeeze %dma_start3A_275 : memref<1x512x64xf32, #tpu.memory_space<vmem>> -> memref<512x64xf32, #tpu.memory_space<vmem>>
          %dma_start3A_277 = arith.constant 0 : i32
          %dma_start3A_278 = tpu.memref_slice %arg4[%mul3A_272, %dma_start3A_277] : memref<819200x64xf32, #tpu.memory_space<hbm>> -> memref<512x64xf32, #tpu.memory_space<hbm>>
          %dma_start3A_279 = tpu.memref_slice %run_scoped3A_11[%rem3A_270] : memref<2x!tpu.dma_semaphore, #tpu.memory_space<semaphore_mem>> -> memref<1x!tpu.dma_semaphore, #tpu.memory_space<semaphore_mem>>
          %dma_start3A_280 = tpu.memref_squeeze %dma_start3A_279 : memref<1x!tpu.dma_semaphore, #tpu.memory_space<semaphore_mem>> -> memref<!tpu.dma_semaphore, #tpu.memory_space<semaphore_mem>>
          %dma_start3A_281 = arith.constant 0 : i32
          %dma_start3A_282 = tpu.memref_slice %arg4[%mul3A_272, %dma_start3A_281] : memref<819200x64xf32, #tpu.memory_space<hbm>> -> memref<512x64xf32, #tpu.memory_space<hbm>>
          %dma_start3A_283 = arith.constant 0 : i32
          %dma_start3A_284 = arith.constant 0 : i32
          %dma_start3A_285 = tpu.memref_slice %run_scoped3A_10[%rem3A_270, %dma_start3A_283, %dma_start3A_284] : memref<2x512x64xf32, #tpu.memory_space<vmem>> -> memref<1x512x64xf32, #tpu.memory_space<vmem>>
          %dma_start3A_286 = tpu.memref_squeeze %dma_start3A_285 : memref<1x512x64xf32, #tpu.memory_space<vmem>> -> memref<512x64xf32, #tpu.memory_space<vmem>>
          tpu.enqueue_dma source(%dma_start3A_286 : memref<512x64xf32, #tpu.memory_space<vmem>>) target(%dma_start3A_282 : memref<512x64xf32, #tpu.memory_space<hbm>>) target_semaphore(%dma_start3A_280 : memref<!tpu.dma_semaphore, #tpu.memory_space<semaphore_mem>>)
          "tpu.trace_stop"() : () -> ()
        } else {
        }
        %and3A_222 = arith.constant true
        %and3A_223 = arith.andi %or3A_218, %and3A_222 : i1
        %add3A_224 = arith.constant 1 : i32
        %add3A_225 = arith.addi %scan3A_127, %add3A_224 : i32
        %select_n3A_226 = arith.select %and3A_223, %add3A_225, %scan3A_127 : i32
        %ne3A_227 = arith.cmpi ne, %add3A_134, %add3A_143 : i32
        %or3A_228 = arith.constant false
        %or3A_229 = arith.ori %or3A_228, %ne3A_227 : i1
        %not3A_230 = arith.constant true
        %not3A_231 = arith.xori %eq3A_131, %not3A_230 : i1
        %and3A_232 = arith.andi %or3A_229, %not3A_231 : i1
        %convert_element_type3A_233 = arith.extui %and3A_232 : i1 to i32
        %cond3A_234 = arith.constant 0 : i32
        %cond3A_235 = arith.cmpi ne, %convert_element_type3A_233, %cond3A_234 : i32
        scf.if %cond3A_235 {
        } else {
        }
        %and3A_236 = arith.constant false
        %and3A_237 = arith.andi %and3A_232, %and3A_236 : i1
        %ne3A_238 = arith.cmpi ne, %add3A_134, %add3A_143 : i32
        %or3A_239 = arith.constant false
        %or3A_240 = arith.ori %or3A_239, %ne3A_238 : i1
        %or3A_241 = arith.constant false
        %or3A_242 = arith.ori %or3A_240, %or3A_241 : i1
        %not3A_243 = arith.constant true
        %not3A_244 = arith.xori %eq3A_131, %not3A_243 : i1
        %and3A_245 = arith.andi %or3A_242, %not3A_244 : i1
        %convert_element_type3A_246 = arith.extui %and3A_245 : i1 to i32
        %cond3A_247 = arith.constant 0 : i32
        %cond3A_248 = arith.cmpi ne, %convert_element_type3A_246, %cond3A_247 : i32
        scf.if %cond3A_248 {
          "tpu.trace_start"() <{level = 10 : i32, message = "ep_wait_out"}> : () -> ()
          %rem3A_269 = arith.constant 2 : i32
          %rem3A_270 = arith.remui %scan3A_128, %rem3A_269 : i32
          %mul3A_271 = arith.constant 512 : i32
          %mul3A_272 = arith.muli %mul3A_271, %add3A_143 : i32
          %dma_wait3A_273 = arith.constant 0 : i32
          %dma_wait3A_274 = arith.constant 0 : i32
          %dma_wait3A_275 = tpu.memref_slice %run_scoped3A_10[%rem3A_270, %dma_wait3A_273, %dma_wait3A_274] : memref<2x512x64xf32, #tpu.memory_space<vmem>> -> memref<1x512x64xf32, #tpu.memory_space<vmem>>
          %dma_wait3A_276 = tpu.memref_squeeze %dma_wait3A_275 : memref<1x512x64xf32, #tpu.memory_space<vmem>> -> memref<512x64xf32, #tpu.memory_space<vmem>>
          %dma_wait3A_277 = arith.constant 0 : i32
          %dma_wait3A_278 = tpu.memref_slice %arg4[%mul3A_272, %dma_wait3A_277] : memref<819200x64xf32, #tpu.memory_space<hbm>> -> memref<512x64xf32, #tpu.memory_space<hbm>>
          %dma_wait3A_279 = tpu.memref_slice %run_scoped3A_11[%rem3A_270] : memref<2x!tpu.dma_semaphore, #tpu.memory_space<semaphore_mem>> -> memref<1x!tpu.dma_semaphore, #tpu.memory_space<semaphore_mem>>
          %dma_wait3A_280 = tpu.memref_squeeze %dma_wait3A_279 : memref<1x!tpu.dma_semaphore, #tpu.memory_space<semaphore_mem>> -> memref<!tpu.dma_semaphore, #tpu.memory_space<semaphore_mem>>
          %dma_wait3A_281 = arith.constant 0 : i32
          %dma_wait3A_282 = tpu.memref_slice %arg4[%mul3A_272, %dma_wait3A_281] : memref<819200x64xf32, #tpu.memory_space<hbm>> -> memref<512x64xf32, #tpu.memory_space<hbm>>
          %dma_wait3A_283 = arith.constant 0 : i32
          %dma_wait3A_284 = arith.constant 0 : i32
          %dma_wait3A_285 = tpu.memref_slice %run_scoped3A_10[%rem3A_270, %dma_wait3A_283, %dma_wait3A_284] : memref<2x512x64xf32, #tpu.memory_space<vmem>> -> memref<1x512x64xf32, #tpu.memory_space<vmem>>
          %dma_wait3A_286 = tpu.memref_squeeze %dma_wait3A_285 : memref<1x512x64xf32, #tpu.memory_space<vmem>> -> memref<512x64xf32, #tpu.memory_space<vmem>>
          tpu.wait_dma2 semaphore(%dma_wait3A_280 : memref<!tpu.dma_semaphore, #tpu.memory_space<semaphore_mem>>) src(%dma_wait3A_286 : memref<512x64xf32, #tpu.memory_space<vmem>>) dst(%dma_wait3A_282 : memref<512x64xf32, #tpu.memory_space<hbm>>)
          "tpu.trace_stop"() : () -> ()
        } else {
        }
        %and3A_249 = arith.constant true
        %and3A_250 = arith.andi %and3A_245, %and3A_249 : i1
        %add3A_251 = arith.constant 1 : i32
        %add3A_252 = arith.addi %scan3A_128, %add3A_251 : i32
        %select_n3A_253 = arith.select %and3A_250, %add3A_252, %scan3A_128 : i32
        %ne3A_254 = arith.cmpi ne, %add3A_134, %add3A_152 : i32
        %or3A_255 = arith.constant false
        %or3A_256 = arith.ori %or3A_255, %ne3A_254 : i1
        %or3A_257 = arith.ori %or3A_256, %eq3A_133 : i1
        %add3A_258 = arith.constant 1 : i32
        %add3A_259 = arith.addi %scan3A_126, %add3A_258 : i32
        %select_n3A_260 = arith.select %or3A_257, %add3A_259, %scan3A_126 : i32
        %add3A_261 = arith.constant 1 : i32
        %add3A_262 = arith.addi %scan3A_129, %add3A_261 : i32
        %select_n3A_263 = arith.constant true
        %select_n3A_264 = arith.select %select_n3A_263, %add3A_262, %scan3A_129 : i32
        %eq3A_265 = arith.constant 50 : i32
        %eq3A_266 = arith.cmpi eq, %select_n3A_264, %eq3A_265 : i32
        %select_n3A_267 = arith.constant 0 : i32
        %select_n3A_268 = arith.select %eq3A_266, %select_n3A_267, %select_n3A_264 : i32
        scf.yield %select_n3A_172, %select_n3A_260, %select_n3A_226, %select_n3A_253, %select_n3A_268 : i32, i32, i32, i32, i32
      }
      %scan3A_71 = arith.constant 50 : i32
      %sub3A = arith.constant 1 : i32
      %sub3A_72 = arith.subi %scan3A_70#4, %sub3A : i32
      %select_n3A_73 = arith.constant true
      %select_n3A_74 = arith.select %select_n3A_73, %sub3A_72, %scan3A_70#4 : i32
      %eq3A_75 = arith.constant -1 : i32
      %eq3A_76 = arith.cmpi eq, %select_n3A_74, %eq3A_75 : i32
      %select_n3A_77 = arith.constant 49 : i32
      %select_n3A_78 = arith.select %eq3A_76, %select_n3A_77, %select_n3A_74 : i32
      %add3A_79 = arith.addi %select_n3A_78, %mul3A_8 : i32
      %sub3A_80 = arith.constant 1 : i32
      %sub3A_81 = arith.subi %select_n3A_78, %sub3A_80 : i32
      %select_n3A_82 = arith.constant true
      %select_n3A_83 = arith.select %select_n3A_82, %sub3A_81, %select_n3A_78 : i32
      %eq3A_84 = arith.constant -1 : i32
      %eq3A_85 = arith.cmpi eq, %select_n3A_83, %eq3A_84 : i32
      %select_n3A_86 = arith.constant 49 : i32
      %select_n3A_87 = arith.select %eq3A_85, %select_n3A_86, %select_n3A_83 : i32
      %add3A_88 = arith.addi %select_n3A_87, %mul3A_8 : i32
      %add3A_89 = arith.constant 1 : i32
      %add3A_90 = arith.addi %select_n3A_78, %add3A_89 : i32
      %select_n3A_91 = arith.constant true
      %select_n3A_92 = arith.select %select_n3A_91, %add3A_90, %select_n3A_78 : i32
      %eq3A_93 = arith.constant 50 : i32
      %eq3A_94 = arith.cmpi eq, %select_n3A_92, %eq3A_93 : i32
      %select_n3A_95 = arith.constant 0 : i32
      %select_n3A_96 = arith.select %eq3A_94, %select_n3A_95, %select_n3A_92 : i32
      %add3A_97 = arith.addi %select_n3A_96, %mul3A_8 : i32
      %add3A_98 = arith.constant 1 : i32
      %add3A_99 = arith.addi %select_n3A_96, %add3A_98 : i32
      %select_n3A_100 = arith.constant true
      %select_n3A_101 = arith.select %select_n3A_100, %add3A_99, %select_n3A_96 : i32
      %eq3A_102 = arith.constant 50 : i32
      %eq3A_103 = arith.cmpi eq, %select_n3A_101, %eq3A_102 : i32
      %select_n3A_104 = arith.constant 0 : i32
      %select_n3A_105 = arith.select %eq3A_103, %select_n3A_104, %select_n3A_101 : i32
      %add3A_106 = arith.addi %select_n3A_105, %mul3A_8 : i32
      "tpu.trace_start"() <{level = 10 : i32, message = "ep_finalize"}> : () -> ()
      %rem3A_107 = arith.constant 2 : i32
      %rem3A_108 = arith.remui %scan3A_70#3, %rem3A_107 : i32
      %mul3A_109 = arith.constant 512 : i32
      %mul3A_110 = arith.muli %mul3A_109, %add3A_79 : i32
      %dma_wait3A = arith.constant 0 : i32
      %dma_wait3A_111 = arith.constant 0 : i32
      %dma_wait3A_112 = tpu.memref_slice %run_scoped3A_10[%rem3A_108, %dma_wait3A, %dma_wait3A_111] : memref<2x512x64xf32, #tpu.memory_space<vmem>> -> memref<1x512x64xf32, #tpu.memory_space<vmem>>
      %dma_wait3A_113 = tpu.memref_squeeze %dma_wait3A_112 : memref<1x512x64xf32, #tpu.memory_space<vmem>> -> memref<512x64xf32, #tpu.memory_space<vmem>>
      %dma_wait3A_114 = arith.constant 0 : i32
      %dma_wait3A_115 = tpu.memref_slice %arg4[%mul3A_110, %dma_wait3A_114] : memref<819200x64xf32, #tpu.memory_space<hbm>> -> memref<512x64xf32, #tpu.memory_space<hbm>>
      %dma_wait3A_116 = tpu.memref_slice %run_scoped3A_11[%rem3A_108] : memref<2x!tpu.dma_semaphore, #tpu.memory_space<semaphore_mem>> -> memref<1x!tpu.dma_semaphore, #tpu.memory_space<semaphore_mem>>
      %dma_wait3A_117 = tpu.memref_squeeze %dma_wait3A_116 : memref<1x!tpu.dma_semaphore, #tpu.memory_space<semaphore_mem>> -> memref<!tpu.dma_semaphore, #tpu.memory_space<semaphore_mem>>
      %dma_wait3A_118 = arith.constant 0 : i32
      %dma_wait3A_119 = tpu.memref_slice %arg4[%mul3A_110, %dma_wait3A_118] : memref<819200x64xf32, #tpu.memory_space<hbm>> -> memref<512x64xf32, #tpu.memory_space<hbm>>
      %dma_wait3A_120 = arith.constant 0 : i32
      %dma_wait3A_121 = arith.constant 0 : i32
      %dma_wait3A_122 = tpu.memref_slice %run_scoped3A_10[%rem3A_108, %dma_wait3A_120, %dma_wait3A_121] : memref<2x512x64xf32, #tpu.memory_space<vmem>> -> memref<1x512x64xf32, #tpu.memory_space<vmem>>
      %dma_wait3A_123 = tpu.memref_squeeze %dma_wait3A_122 : memref<1x512x64xf32, #tpu.memory_space<vmem>> -> memref<512x64xf32, #tpu.memory_space<vmem>>
      tpu.wait_dma2 semaphore(%dma_wait3A_117 : memref<!tpu.dma_semaphore, #tpu.memory_space<semaphore_mem>>) src(%dma_wait3A_123 : memref<512x64xf32, #tpu.memory_space<vmem>>) dst(%dma_wait3A_119 : memref<512x64xf32, #tpu.memory_space<hbm>>)
      "tpu.trace_stop"() : () -> ()
      tpu.yield
    }) : () -> ()
    return
  }
}

#map = affine_map<(d0, d1) -> (0, 0)>
module attributes {stable_mosaic.version = 14 : i64} {
  func.func @_kernel_body(%arg0: i32, %arg1: i32, %arg2: memref<1x819200xi32, #tpu.memory_space<hbm>>, %arg3: memref<8x64xf32, #tpu.memory_space<hbm>>, %arg4: memref<819200x64xf32, #tpu.memory_space<hbm>>, %arg5: memref<8x64xf32, #tpu.memory_space<vmem_shared>>) attributes {dimension_semantics = [#tpu.dimension_semantics<core_parallel>, #tpu.dimension_semantics<subcore_parallel>], iteration_bounds = array<i64: 2, 16>, scalar_prefetch = 0 : i64, scratch_operands = 1 : i64, tpu.core_type = #tpu.core_type<sc_vector_subcore>, window_params = [{transform_indices = #map}, {transform_indices = #map}, {transform_indices = #map}]} {
    %eq3A = arith.constant 0 : i32
    %eq3A_0 = arith.cmpi eq, %arg1, %eq3A : i32
    %convert_element_type3A = arith.extui %eq3A_0 : i1 to i32
    %cond3A = arith.constant 0 : i32
    %cond3A_1 = arith.cmpi ne, %convert_element_type3A, %cond3A : i32
    scf.if %cond3A_1 {
      "tpu.region"() ({
        %run_scoped3A = tpu.sem_alloc : memref<!tpu.dma_semaphore, #tpu.memory_space<semaphore_mem>>
        tpu.enqueue_dma source(%arg3 : memref<8x64xf32, #tpu.memory_space<hbm>>) target(%arg5 : memref<8x64xf32, #tpu.memory_space<vmem_shared>>) target_semaphore(%run_scoped3A : memref<!tpu.dma_semaphore, #tpu.memory_space<semaphore_mem>>)
        tpu.wait_dma2 semaphore(%run_scoped3A : memref<!tpu.dma_semaphore, #tpu.memory_space<semaphore_mem>>) src(%arg3 : memref<8x64xf32, #tpu.memory_space<hbm>>) dst(%arg5 : memref<8x64xf32, #tpu.memory_space<vmem_shared>>)
        tpu.yield
      }) : () -> ()
    } else {
    }
    %barrier3A = arith.constant 0 : index
    tpu.barrier barrier_id(%barrier3A)
    %mul3A = arith.constant 1 : i32
    %mul3A_2 = arith.muli %arg1, %mul3A : i32
    %add3A = arith.constant 0 : i32
    %add3A_3 = arith.addi %add3A, %mul3A_2 : i32
    %mul3A_4 = arith.constant 16 : i32
    %mul3A_5 = arith.muli %arg0, %mul3A_4 : i32
    %add3A_6 = arith.addi %add3A_3, %mul3A_5 : i32
    %mul3A_7 = arith.constant 50 : i32
    %mul3A_8 = arith.muli %add3A_6, %mul3A_7 : i32
    "tpu.region"() ({
      %run_scoped3A = memref.alloca() : memref<2x1x512xi32, #tpu.memory_space<vmem>>
      %run_scoped3A_9 = tpu.sem_alloc : memref<2x!tpu.dma_semaphore, #tpu.memory_space<semaphore_mem>>
      %run_scoped3A_10 = memref.alloca() : memref<2x512x64xf32, #tpu.memory_space<vmem>>
      %run_scoped3A_11 = tpu.sem_alloc : memref<2x!tpu.dma_semaphore, #tpu.memory_space<semaphore_mem>>
      %add3A_12 = arith.constant 0 : i32
      %add3A_13 = arith.addi %add3A_12, %mul3A_8 : i32
      %select_n3A = arith.constant true
      %select_n3A_14 = arith.constant 0 : i32
      %select_n3A_15 = arith.constant -1 : i32
      %select_n3A_16 = arith.select %select_n3A, %select_n3A_15, %select_n3A_14 : i32
      %eq3A_17 = arith.constant -1 : i32
      %eq3A_18 = arith.cmpi eq, %select_n3A_16, %eq3A_17 : i32
      %select_n3A_19 = arith.constant 49 : i32
      %select_n3A_20 = arith.select %eq3A_18, %select_n3A_19, %select_n3A_16 : i32
      %add3A_21 = arith.addi %select_n3A_20, %mul3A_8 : i32
      %select_n3A_22 = arith.constant true
      %select_n3A_23 = arith.constant 0 : i32
      %select_n3A_24 = arith.constant 1 : i32
      %select_n3A_25 = arith.select %select_n3A_22, %select_n3A_24, %select_n3A_23 : i32
      %eq3A_26 = arith.constant 50 : i32
      %eq3A_27 = arith.cmpi eq, %select_n3A_25, %eq3A_26 : i32
      %select_n3A_28 = arith.constant 0 : i32
      %select_n3A_29 = arith.select %eq3A_27, %select_n3A_28, %select_n3A_25 : i32
      %add3A_30 = arith.addi %select_n3A_29, %mul3A_8 : i32
      %add3A_31 = arith.constant 1 : i32
      %add3A_32 = arith.addi %select_n3A_29, %add3A_31 : i32
      %select_n3A_33 = arith.constant true
      %select_n3A_34 = arith.select %select_n3A_33, %add3A_32, %select_n3A_29 : i32
      %eq3A_35 = arith.constant 50 : i32
      %eq3A_36 = arith.cmpi eq, %select_n3A_34, %eq3A_35 : i32
      %select_n3A_37 = arith.constant 0 : i32
      %select_n3A_38 = arith.select %eq3A_36, %select_n3A_37, %select_n3A_34 : i32
      %add3A_39 = arith.addi %select_n3A_38, %mul3A_8 : i32
      "tpu.trace_start"() <{level = 10 : i32, message = "ep_initialize_0"}> : () -> ()
      %rem3A = arith.constant 0 : i32
      %rem3A_40 = arith.constant 2 : i32
      %rem3A_41 = arith.remui %rem3A, %rem3A_40 : i32
      %mul3A_42 = arith.constant 512 : i32
      %mul3A_43 = arith.muli %mul3A_42, %add3A_13 : i32
      %dma_start3A = arith.constant 0 : i32
      %dma_start3A_44 = arith.constant 0 : i32
      %dma_start3A_45 = tpu.memref_slice %run_scoped3A[%rem3A_41, %dma_start3A, %dma_start3A_44] : memref<2x1x512xi32, #tpu.memory_space<vmem>> -> memref<1x1x512xi32, #tpu.memory_space<vmem>>
      %dma_start3A_46 = tpu.memref_squeeze %dma_start3A_45 : memref<1x1x512xi32, #tpu.memory_space<vmem>> -> memref<1x512xi32, #tpu.memory_space<vmem>>
      %dma_start3A_47 = arith.constant 0 : i32
      %dma_start3A_48 = tpu.memref_slice %arg2[%dma_start3A_47, %mul3A_43] : memref<1x819200xi32, #tpu.memory_space<hbm>> -> memref<1x512xi32, #tpu.memory_space<hbm>>
      %dma_start3A_49 = tpu.memref_slice %run_scoped3A_9[%rem3A_41] : memref<2x!tpu.dma_semaphore, #tpu.memory_space<semaphore_mem>> -> memref<1x!tpu.dma_semaphore, #tpu.memory_space<semaphore_mem>>
      %dma_start3A_50 = tpu.memref_squeeze %dma_start3A_49 : memref<1x!tpu.dma_semaphore, #tpu.memory_space<semaphore_mem>> -> memref<!tpu.dma_semaphore, #tpu.memory_space<semaphore_mem>>
      %dma_start3A_51 = arith.constant 0 : i32
      %dma_start3A_52 = arith.constant 0 : i32
      %dma_start3A_53 = tpu.memref_slice %run_scoped3A[%rem3A_41, %dma_start3A_51, %dma_start3A_52] : memref<2x1x512xi32, #tpu.memory_space<vmem>> -> memref<1x1x512xi32, #tpu.memory_space<vmem>>
      %dma_start3A_54 = tpu.memref_squeeze %dma_start3A_53 : memref<1x1x512xi32, #tpu.memory_space<vmem>> -> memref<1x512xi32, #tpu.memory_space<vmem>>
      %dma_start3A_55 = arith.constant 0 : i32
      %dma_start3A_56 = tpu.memref_slice %arg2[%dma_start3A_55, %mul3A_43] : memref<1x819200xi32, #tpu.memory_space<hbm>> -> memref<1x512xi32, #tpu.memory_space<hbm>>
      tpu.enqueue_dma source(%dma_start3A_56 : memref<1x512xi32, #tpu.memory_space<hbm>>) target(%dma_start3A_54 : memref<1x512xi32, #tpu.memory_space<vmem>>) target_semaphore(%dma_start3A_50 : memref<!tpu.dma_semaphore, #tpu.memory_space<semaphore_mem>>)
      %add3A_57 = arith.constant 0 : i32
      %add3A_58 = arith.constant 1 : i32
      %add3A_59 = arith.addi %add3A_57, %add3A_58 : i32
      %select_n3A_60 = arith.constant true
      %select_n3A_61 = arith.constant 0 : i32
      %select_n3A_62 = arith.select %select_n3A_60, %add3A_59, %select_n3A_61 : i32
      "tpu.trace_stop"() : () -> ()
      %scan3A = arith.constant 0 : i32
      %scan3A_63 = arith.constant 0 : i32
      %scan3A_64 = arith.constant 0 : i32
      %scan3A_65 = arith.constant 0 : i32
      %scan3A_66 = arith.constant 0 : i32
      %scan3A_67 = arith.constant 50 : i32
      %scan3A_68 = arith.addi %scan3A_66, %scan3A_67 : i32
      %scan3A_69 = arith.constant 1 : i32
      %scan3A_70:5 = scf.for %scan3A_124 = %scan3A_66 to %scan3A_68 step %scan3A_69 iter_args(%scan3A_125 = %select_n3A_62, %scan3A_126 = %scan3A, %scan3A_127 = %scan3A_63, %scan3A_128 = %scan3A_64, %scan3A_129 = %scan3A_65) -> (i32, i32, i32, i32, i32)  : i32 {
        %eq3A_130 = arith.constant 0 : i32
        %eq3A_131 = arith.cmpi eq, %scan3A_124, %eq3A_130 : i32
        %eq3A_132 = arith.constant 49 : i32
        %eq3A_133 = arith.cmpi eq, %scan3A_124, %eq3A_132 : i32
        %add3A_134 = arith.addi %scan3A_129, %mul3A_8 : i32
        %sub3A_135 = arith.constant 1 : i32
        %sub3A_136 = arith.subi %scan3A_129, %sub3A_135 : i32
        %select_n3A_137 = arith.constant true
        %select_n3A_138 = arith.select %select_n3A_137, %sub3A_136, %scan3A_129 : i32
        %eq3A_139 = arith.constant -1 : i32
        %eq3A_140 = arith.cmpi eq, %select_n3A_138, %eq3A_139 : i32
        %select_n3A_141 = arith.constant 49 : i32
        %select_n3A_142 = arith.select %eq3A_140, %select_n3A_141, %select_n3A_138 : i32
        %add3A_143 = arith.addi %select_n3A_142, %mul3A_8 : i32
        %add3A_144 = arith.constant 1 : i32
        %add3A_145 = arith.addi %scan3A_129, %add3A_144 : i32
        %select_n3A_146 = arith.constant true
        %select_n3A_147 = arith.select %select_n3A_146, %add3A_145, %scan3A_129 : i32
        %eq3A_148 = arith.constant 50 : i32
        %eq3A_149 = arith.cmpi eq, %select_n3A_147, %eq3A_148 : i32
        %select_n3A_150 = arith.constant 0 : i32
        %select_n3A_151 = arith.select %eq3A_149, %select_n3A_150, %select_n3A_147 : i32
        %add3A_152 = arith.addi %select_n3A_151, %mul3A_8 : i32
        %add3A_153 = arith.constant 1 : i32
        %add3A_154 = arith.addi %select_n3A_151, %add3A_153 : i32
        %select_n3A_155 = arith.constant true
        %select_n3A_156 = arith.select %select_n3A_155, %add3A_154, %select_n3A_151 : i32
        %eq3A_157 = arith.constant 50 : i32
        %eq3A_158 = arith.cmpi eq, %select_n3A_156, %eq3A_157 : i32
        %select_n3A_159 = arith.constant 0 : i32
        %select_n3A_160 = arith.select %eq3A_158, %select_n3A_159, %select_n3A_156 : i32
        %add3A_161 = arith.addi %select_n3A_160, %mul3A_8 : i32
        %ne3A = arith.cmpi ne, %add3A_134, %add3A_152 : i32
        %or3A = arith.constant false
        %or3A_162 = arith.ori %or3A, %ne3A : i1
        %ge3A = arith.constant 49 : i32
        %ge3A_163 = arith.cmpi sge, %scan3A_124, %ge3A : i32
        %not3A = arith.constant true
        %not3A_164 = arith.xori %ge3A_163, %not3A : i1
        %and3A = arith.andi %or3A_162, %not3A_164 : i1
        %convert_element_type3A_165 = arith.extui %and3A : i1 to i32
        %cond3A_166 = arith.constant 0 : i32
        %cond3A_167 = arith.cmpi ne, %convert_element_type3A_165, %cond3A_166 : i32
        scf.if %cond3A_167 {
          "tpu.trace_start"() <{level = 10 : i32, message = "ep_copy_in"}> : () -> ()
          %rem3A_269 = arith.constant 2 : i32
          %rem3A_270 = arith.remui %scan3A_125, %rem3A_269 : i32
          %mul3A_271 = arith.constant 512 : i32
          %mul3A_272 = arith.muli %mul3A_271, %add3A_152 : i32
          %dma_start3A_273 = arith.constant 0 : i32
          %dma_start3A_274 = arith.constant 0 : i32
          %dma_start3A_275 = tpu.memref_slice %run_scoped3A[%rem3A_270, %dma_start3A_273, %dma_start3A_274] : memref<2x1x512xi32, #tpu.memory_space<vmem>> -> memref<1x1x512xi32, #tpu.memory_space<vmem>>
          %dma_start3A_276 = tpu.memref_squeeze %dma_start3A_275 : memref<1x1x512xi32, #tpu.memory_space<vmem>> -> memref<1x512xi32, #tpu.memory_space<vmem>>
          %dma_start3A_277 = arith.constant 0 : i32
          %dma_start3A_278 = tpu.memref_slice %arg2[%dma_start3A_277, %mul3A_272] : memref<1x819200xi32, #tpu.memory_space<hbm>> -> memref<1x512xi32, #tpu.memory_space<hbm>>
          %dma_start3A_279 = tpu.memref_slice %run_scoped3A_9[%rem3A_270] : memref<2x!tpu.dma_semaphore, #tpu.memory_space<semaphore_mem>> -> memref<1x!tpu.dma_semaphore, #tpu.memory_space<semaphore_mem>>
          %dma_start3A_280 = tpu.memref_squeeze %dma_start3A_279 : memref<1x!tpu.dma_semaphore, #tpu.memory_space<semaphore_mem>> -> memref<!tpu.dma_semaphore, #tpu.memory_space<semaphore_mem>>
          %dma_start3A_281 = arith.constant 0 : i32
          %dma_start3A_282 = arith.constant 0 : i32
          %dma_start3A_283 = tpu.memref_slice %run_scoped3A[%rem3A_270, %dma_start3A_281, %dma_start3A_282] : memref<2x1x512xi32, #tpu.memory_space<vmem>> -> memref<1x1x512xi32, #tpu.memory_space<vmem>>
          %dma_start3A_284 = tpu.memref_squeeze %dma_start3A_283 : memref<1x1x512xi32, #tpu.memory_space<vmem>> -> memref<1x512xi32, #tpu.memory_space<vmem>>
          %dma_start3A_285 = arith.constant 0 : i32
          %dma_start3A_286 = tpu.memref_slice %arg2[%dma_start3A_285, %mul3A_272] : memref<1x819200xi32, #tpu.memory_space<hbm>> -> memref<1x512xi32, #tpu.memory_space<hbm>>
          tpu.enqueue_dma source(%dma_start3A_286 : memref<1x512xi32, #tpu.memory_space<hbm>>) target(%dma_start3A_284 : memref<1x512xi32, #tpu.memory_space<vmem>>) target_semaphore(%dma_start3A_280 : memref<!tpu.dma_semaphore, #tpu.memory_space<semaphore_mem>>)
          "tpu.trace_stop"() : () -> ()
        } else {
        }
        %and3A_168 = arith.constant true
        %and3A_169 = arith.andi %and3A, %and3A_168 : i1
        %add3A_170 = arith.constant 1 : i32
        %add3A_171 = arith.addi %scan3A_125, %add3A_170 : i32
        %select_n3A_172 = arith.select %and3A_169, %add3A_171, %scan3A_125 : i32
        %ne3A_173 = arith.cmpi ne, %add3A_134, %add3A_152 : i32
        %or3A_174 = arith.constant false
        %or3A_175 = arith.ori %or3A_174, %ne3A_173 : i1
        %or3A_176 = arith.constant false
        %or3A_177 = arith.ori %or3A_175, %or3A_176 : i1
        %ge3A_178 = arith.constant 49 : i32
        %ge3A_179 = arith.cmpi sge, %scan3A_124, %ge3A_178 : i32
        %not3A_180 = arith.constant true
        %not3A_181 = arith.xori %ge3A_179, %not3A_180 : i1
        %and3A_182 = arith.andi %or3A_177, %not3A_181 : i1
        %ne3A_183 = arith.cmpi ne, %add3A_134, %add3A_143 : i32
        %or3A_184 = arith.constant false
        %or3A_185 = arith.ori %or3A_184, %ne3A_183 : i1
        %or3A_186 = arith.ori %or3A_185, %eq3A_131 : i1
        %convert_element_type3A_187 = arith.extui %or3A_186 : i1 to i32
        %cond3A_188 = arith.constant 0 : i32
        %cond3A_189 = arith.cmpi ne, %convert_element_type3A_187, %cond3A_188 : i32
        scf.if %cond3A_189 {
          "tpu.trace_start"() <{level = 10 : i32, message = "ep_wait_in"}> : () -> ()
          %mul3A_269 = arith.constant 512 : i32
          %mul3A_270 = arith.muli %mul3A_269, %add3A_134 : i32
          %rem3A_271 = arith.constant 2 : i32
          %rem3A_272 = arith.remui %scan3A_126, %rem3A_271 : i32
          %dma_wait3A_273 = arith.constant 0 : i32
          %dma_wait3A_274 = arith.constant 0 : i32
          %dma_wait3A_275 = tpu.memref_slice %run_scoped3A[%rem3A_272, %dma_wait3A_273, %dma_wait3A_274] : memref<2x1x512xi32, #tpu.memory_space<vmem>> -> memref<1x1x512xi32, #tpu.memory_space<vmem>>
          %dma_wait3A_276 = tpu.memref_squeeze %dma_wait3A_275 : memref<1x1x512xi32, #tpu.memory_space<vmem>> -> memref<1x512xi32, #tpu.memory_space<vmem>>
          %dma_wait3A_277 = arith.constant 0 : i32
          %dma_wait3A_278 = tpu.memref_slice %arg2[%dma_wait3A_277, %mul3A_270] : memref<1x819200xi32, #tpu.memory_space<hbm>> -> memref<1x512xi32, #tpu.memory_space<hbm>>
          %dma_wait3A_279 = tpu.memref_slice %run_scoped3A_9[%rem3A_272] : memref<2x!tpu.dma_semaphore, #tpu.memory_space<semaphore_mem>> -> memref<1x!tpu.dma_semaphore, #tpu.memory_space<semaphore_mem>>
          %dma_wait3A_280 = tpu.memref_squeeze %dma_wait3A_279 : memref<1x!tpu.dma_semaphore, #tpu.memory_space<semaphore_mem>> -> memref<!tpu.dma_semaphore, #tpu.memory_space<semaphore_mem>>
          %dma_wait3A_281 = arith.constant 0 : i32
          %dma_wait3A_282 = arith.constant 0 : i32
          %dma_wait3A_283 = tpu.memref_slice %run_scoped3A[%rem3A_272, %dma_wait3A_281, %dma_wait3A_282] : memref<2x1x512xi32, #tpu.memory_space<vmem>> -> memref<1x1x512xi32, #tpu.memory_space<vmem>>
          %dma_wait3A_284 = tpu.memref_squeeze %dma_wait3A_283 : memref<1x1x512xi32, #tpu.memory_space<vmem>> -> memref<1x512xi32, #tpu.memory_space<vmem>>
          %dma_wait3A_285 = arith.constant 0 : i32
          %dma_wait3A_286 = tpu.memref_slice %arg2[%dma_wait3A_285, %mul3A_270] : memref<1x819200xi32, #tpu.memory_space<hbm>> -> memref<1x512xi32, #tpu.memory_space<hbm>>
          tpu.wait_dma2 semaphore(%dma_wait3A_280 : memref<!tpu.dma_semaphore, #tpu.memory_space<semaphore_mem>>) src(%dma_wait3A_286 : memref<1x512xi32, #tpu.memory_space<hbm>>) dst(%dma_wait3A_284 : memref<1x512xi32, #tpu.memory_space<vmem>>)
          "tpu.trace_stop"() : () -> ()
        } else {
        }
        %ne3A_190 = arith.cmpi ne, %add3A_134, %add3A_143 : i32
        %or3A_191 = arith.constant false
        %or3A_192 = arith.ori %or3A_191, %ne3A_190 : i1
        %or3A_193 = arith.constant false
        %or3A_194 = arith.ori %or3A_192, %or3A_193 : i1
        %or3A_195 = arith.ori %or3A_194, %eq3A_131 : i1
        %convert_element_type3A_196 = arith.extui %or3A_195 : i1 to i32
        %cond3A_197 = arith.constant 0 : i32
        %cond3A_198 = arith.cmpi ne, %convert_element_type3A_196, %cond3A_197 : i32
        scf.if %cond3A_198 {
        } else {
        }
        %rem3A_199 = arith.constant 2 : i32
        %rem3A_200 = arith.remui %scan3A_126, %rem3A_199 : i32
        %rem3A_201 = arith.constant 2 : i32
        %rem3A_202 = arith.remui %scan3A_127, %rem3A_201 : i32
        %run_scoped3A_203 = arith.constant 0 : i32
        "tpu.trace_start"() <{level = 10 : i32, message = "ep_run_kernel"}> : () -> ()
        "tpu.region"() ({
          %run_scoped3A_269 = tpu.sem_alloc : memref<!tpu.dma_semaphore, #tpu.memory_space<semaphore_mem>>
          %dma_start3A_270 = arith.constant 0 : i32
          %dma_start3A_271 = arith.constant 0 : i32
          %dma_start3A_272 = tpu.memref_slice %run_scoped3A_10[%rem3A_202, %dma_start3A_270, %dma_start3A_271] : memref<2x512x64xf32, #tpu.memory_space<vmem>> -> memref<1x512x64xf32, #tpu.memory_space<vmem>>
          %dma_start3A_273 = tpu.memref_squeeze %dma_start3A_272 : memref<1x512x64xf32, #tpu.memory_space<vmem>> -> memref<512x64xf32, #tpu.memory_space<vmem>>
          %dma_start3A_274 = arith.constant 0 : i32
          %dma_start3A_275 = arith.constant 0 : i32
          %dma_start3A_276 = tpu.memref_slice %run_scoped3A[%rem3A_200, %dma_start3A_274, %dma_start3A_275] : memref<2x1x512xi32, #tpu.memory_space<vmem>> -> memref<1x1x512xi32, #tpu.memory_space<vmem>>
          %dma_start3A_277 = tpu.memref_squeeze %dma_start3A_276 : memref<1x1x512xi32, #tpu.memory_space<vmem>> -> memref<1x512xi32, #tpu.memory_space<vmem>>
          %dma_start3A_278 = arith.constant 0 : i32
          %dma_start3A_279 = tpu.memref_slice %dma_start3A_277[%run_scoped3A_203, %dma_start3A_278] : memref<1x512xi32, #tpu.memory_space<vmem>> -> memref<1x512xi32, #tpu.memory_space<vmem>>
          %dma_start3A_280 = tpu.memref_squeeze %dma_start3A_279 : memref<1x512xi32, #tpu.memory_space<vmem>> -> memref<512xi32, #tpu.memory_space<vmem>>
          %dma_start3A_281 = arith.constant 0 : i32
          %dma_start3A_282 = arith.constant 0 : i32
          %dma_start3A_283 = tpu.memref_slice %arg5[%dma_start3A_281, %dma_start3A_282] : memref<8x64xf32, #tpu.memory_space<vmem_shared>> -> memref<8x64xf32, #tpu.memory_space<vmem_shared>>
          tpu.enqueue_indirect_dma source(%dma_start3A_283 : memref<8x64xf32, #tpu.memory_space<vmem_shared>>) target(%dma_start3A_273 : memref<512x64xf32, #tpu.memory_space<vmem>>) offsets(%dma_start3A_280 : memref<512xi32, #tpu.memory_space<vmem>>) semaphore(%run_scoped3A_269 : memref<!tpu.dma_semaphore, #tpu.memory_space<semaphore_mem>>)
          %dma_wait3A_284 = arith.constant 0 : i32
          %dma_wait3A_285 = arith.constant 0 : i32
          %dma_wait3A_286 = tpu.memref_slice %run_scoped3A_10[%rem3A_202, %dma_wait3A_284, %dma_wait3A_285] : memref<2x512x64xf32, #tpu.memory_space<vmem>> -> memref<1x512x64xf32, #tpu.memory_space<vmem>>
          %dma_wait3A_287 = tpu.memref_squeeze %dma_wait3A_286 : memref<1x512x64xf32, #tpu.memory_space<vmem>> -> memref<512x64xf32, #tpu.memory_space<vmem>>
          %dma_wait3A_288 = arith.constant 0 : i32
          %dma_wait3A_289 = arith.constant 0 : i32
          %dma_wait3A_290 = tpu.memref_slice %run_scoped3A[%rem3A_200, %dma_wait3A_288, %dma_wait3A_289] : memref<2x1x512xi32, #tpu.memory_space<vmem>> -> memref<1x1x512xi32, #tpu.memory_space<vmem>>
          %dma_wait3A_291 = tpu.memref_squeeze %dma_wait3A_290 : memref<1x1x512xi32, #tpu.memory_space<vmem>> -> memref<1x512xi32, #tpu.memory_space<vmem>>
          %dma_wait3A_292 = arith.constant 0 : i32
          %dma_wait3A_293 = tpu.memref_slice %dma_wait3A_291[%run_scoped3A_203, %dma_wait3A_292] : memref<1x512xi32, #tpu.memory_space<vmem>> -> memref<1x512xi32, #tpu.memory_space<vmem>>
          %dma_wait3A_294 = tpu.memref_squeeze %dma_wait3A_293 : memref<1x512xi32, #tpu.memory_space<vmem>> -> memref<512xi32, #tpu.memory_space<vmem>>
          %dma_wait3A_295 = arith.constant 0 : i32
          %dma_wait3A_296 = arith.constant 0 : i32
          %dma_wait3A_297 = tpu.memref_slice %arg5[%dma_wait3A_295, %dma_wait3A_296] : memref<8x64xf32, #tpu.memory_space<vmem_shared>> -> memref<8x64xf32, #tpu.memory_space<vmem_shared>>
          tpu.wait_indirect_dma semaphore(%run_scoped3A_269 : memref<!tpu.dma_semaphore, #tpu.memory_space<semaphore_mem>>) src(%dma_wait3A_297 : memref<8x64xf32, #tpu.memory_space<vmem_shared>>) dst(%dma_wait3A_287 : memref<512x64xf32, #tpu.memory_space<vmem>>)
          tpu.yield
        }) : () -> ()
        "tpu.trace_stop"() : () -> ()
        %ne3A_204 = arith.cmpi ne, %add3A_134, %add3A_152 : i32
        %or3A_205 = arith.constant false
        %or3A_206 = arith.ori %or3A_205, %ne3A_204 : i1
        %or3A_207 = arith.ori %or3A_206, %eq3A_133 : i1
        %convert_element_type3A_208 = arith.extui %or3A_207 : i1 to i32
        %cond3A_209 = arith.constant 0 : i32
        %cond3A_210 = arith.cmpi ne, %convert_element_type3A_208, %cond3A_209 : i32
        scf.if %cond3A_210 {
        } else {
        }
        %and3A_211 = arith.constant false
        %and3A_212 = arith.andi %or3A_207, %and3A_211 : i1
        %ne3A_213 = arith.cmpi ne, %add3A_134, %add3A_152 : i32
        %or3A_214 = arith.constant false
        %or3A_215 = arith.ori %or3A_214, %ne3A_213 : i1
        %or3A_216 = arith.constant false
        %or3A_217 = arith.ori %or3A_215, %or3A_216 : i1
        %or3A_218 = arith.ori %or3A_217, %eq3A_133 : i1
        %convert_element_type3A_219 = arith.extui %or3A_218 : i1 to i32
        %cond3A_220 = arith.constant 0 : i32
        %cond3A_221 = arith.cmpi ne, %convert_element_type3A_219, %cond3A_220 : i32
        scf.if %cond3A_221 {
          "tpu.trace_start"() <{level = 10 : i32, message = "ep_copy_out"}> : () -> ()
          %rem3A_269 = arith.constant 2 : i32
          %rem3A_270 = arith.remui %scan3A_127, %rem3A_269 : i32
          %mul3A_271 = arith.constant 512 : i32
          %mul3A_272 = arith.muli %mul3A_271, %add3A_134 : i32
          %dma_start3A_273 = arith.constant 0 : i32
          %dma_start3A_274 = arith.constant 0 : i32
          %dma_start3A_275 = tpu.memref_slice %run_scoped3A_10[%rem3A_270, %dma_start3A_273, %dma_start3A_274] : memref<2x512x64xf32, #tpu.memory_space<vmem>> -> memref<1x512x64xf32, #tpu.memory_space<vmem>>
          %dma_start3A_276 = tpu.memref_squeeze %dma_start3A_275 : memref<1x512x64xf32, #tpu.memory_space<vmem>> -> memref<512x64xf32, #tpu.memory_space<vmem>>
          %dma_start3A_277 = arith.constant 0 : i32
          %dma_start3A_278 = tpu.memref_slice %arg4[%mul3A_272, %dma_start3A_277] : memref<819200x64xf32, #tpu.memory_space<hbm>> -> memref<512x64xf32, #tpu.memory_space<hbm>>
          %dma_start3A_279 = tpu.memref_slice %run_scoped3A_11[%rem3A_270] : memref<2x!tpu.dma_semaphore, #tpu.memory_space<semaphore_mem>> -> memref<1x!tpu.dma_semaphore, #tpu.memory_space<semaphore_mem>>
          %dma_start3A_280 = tpu.memref_squeeze %dma_start3A_279 : memref<1x!tpu.dma_semaphore, #tpu.memory_space<semaphore_mem>> -> memref<!tpu.dma_semaphore, #tpu.memory_space<semaphore_mem>>
          %dma_start3A_281 = arith.constant 0 : i32
          %dma_start3A_282 = tpu.memref_slice %arg4[%mul3A_272, %dma_start3A_281] : memref<819200x64xf32, #tpu.memory_space<hbm>> -> memref<512x64xf32, #tpu.memory_space<hbm>>
          %dma_start3A_283 = arith.constant 0 : i32
          %dma_start3A_284 = arith.constant 0 : i32
          %dma_start3A_285 = tpu.memref_slice %run_scoped3A_10[%rem3A_270, %dma_start3A_283, %dma_start3A_284] : memref<2x512x64xf32, #tpu.memory_space<vmem>> -> memref<1x512x64xf32, #tpu.memory_space<vmem>>
          %dma_start3A_286 = tpu.memref_squeeze %dma_start3A_285 : memref<1x512x64xf32, #tpu.memory_space<vmem>> -> memref<512x64xf32, #tpu.memory_space<vmem>>
          tpu.enqueue_dma source(%dma_start3A_286 : memref<512x64xf32, #tpu.memory_space<vmem>>) target(%dma_start3A_282 : memref<512x64xf32, #tpu.memory_space<hbm>>) target_semaphore(%dma_start3A_280 : memref<!tpu.dma_semaphore, #tpu.memory_space<semaphore_mem>>)
          "tpu.trace_stop"() : () -> ()
        } else {
        }
        %and3A_222 = arith.constant true
        %and3A_223 = arith.andi %or3A_218, %and3A_222 : i1
        %add3A_224 = arith.constant 1 : i32
        %add3A_225 = arith.addi %scan3A_127, %add3A_224 : i32
        %select_n3A_226 = arith.select %and3A_223, %add3A_225, %scan3A_127 : i32
        %ne3A_227 = arith.cmpi ne, %add3A_134, %add3A_143 : i32
        %or3A_228 = arith.constant false
        %or3A_229 = arith.ori %or3A_228, %ne3A_227 : i1
        %not3A_230 = arith.constant true
        %not3A_231 = arith.xori %eq3A_131, %not3A_230 : i1
        %and3A_232 = arith.andi %or3A_229, %not3A_231 : i1
        %convert_element_type3A_233 = arith.extui %and3A_232 : i1 to i32
        %cond3A_234 = arith.constant 0 : i32
        %cond3A_235 = arith.cmpi ne, %convert_element_type3A_233, %cond3A_234 : i32
        scf.if %cond3A_235 {
        } else {
        }
        %and3A_236 = arith.constant false
        %and3A_237 = arith.andi %and3A_232, %and3A_236 : i1
        %ne3A_238 = arith.cmpi ne, %add3A_134, %add3A_143 : i32
        %or3A_239 = arith.constant false
        %or3A_240 = arith.ori %or3A_239, %ne3A_238 : i1
        %or3A_241 = arith.constant false
        %or3A_242 = arith.ori %or3A_240, %or3A_241 : i1
        %not3A_243 = arith.constant true
        %not3A_244 = arith.xori %eq3A_131, %not3A_243 : i1
        %and3A_245 = arith.andi %or3A_242, %not3A_244 : i1
        %convert_element_type3A_246 = arith.extui %and3A_245 : i1 to i32
        %cond3A_247 = arith.constant 0 : i32
        %cond3A_248 = arith.cmpi ne, %convert_element_type3A_246, %cond3A_247 : i32
        scf.if %cond3A_248 {
          "tpu.trace_start"() <{level = 10 : i32, message = "ep_wait_out"}> : () -> ()
          %rem3A_269 = arith.constant 2 : i32
          %rem3A_270 = arith.remui %scan3A_128, %rem3A_269 : i32
          %mul3A_271 = arith.constant 512 : i32
          %mul3A_272 = arith.muli %mul3A_271, %add3A_143 : i32
          %dma_wait3A_273 = arith.constant 0 : i32
          %dma_wait3A_274 = arith.constant 0 : i32
          %dma_wait3A_275 = tpu.memref_slice %run_scoped3A_10[%rem3A_270, %dma_wait3A_273, %dma_wait3A_274] : memref<2x512x64xf32, #tpu.memory_space<vmem>> -> memref<1x512x64xf32, #tpu.memory_space<vmem>>
          %dma_wait3A_276 = tpu.memref_squeeze %dma_wait3A_275 : memref<1x512x64xf32, #tpu.memory_space<vmem>> -> memref<512x64xf32, #tpu.memory_space<vmem>>
          %dma_wait3A_277 = arith.constant 0 : i32
          %dma_wait3A_278 = tpu.memref_slice %arg4[%mul3A_272, %dma_wait3A_277] : memref<819200x64xf32, #tpu.memory_space<hbm>> -> memref<512x64xf32, #tpu.memory_space<hbm>>
          %dma_wait3A_279 = tpu.memref_slice %run_scoped3A_11[%rem3A_270] : memref<2x!tpu.dma_semaphore, #tpu.memory_space<semaphore_mem>> -> memref<1x!tpu.dma_semaphore, #tpu.memory_space<semaphore_mem>>
          %dma_wait3A_280 = tpu.memref_squeeze %dma_wait3A_279 : memref<1x!tpu.dma_semaphore, #tpu.memory_space<semaphore_mem>> -> memref<!tpu.dma_semaphore, #tpu.memory_space<semaphore_mem>>
          %dma_wait3A_281 = arith.constant 0 : i32
          %dma_wait3A_282 = tpu.memref_slice %arg4[%mul3A_272, %dma_wait3A_281] : memref<819200x64xf32, #tpu.memory_space<hbm>> -> memref<512x64xf32, #tpu.memory_space<hbm>>
          %dma_wait3A_283 = arith.constant 0 : i32
          %dma_wait3A_284 = arith.constant 0 : i32
          %dma_wait3A_285 = tpu.memref_slice %run_scoped3A_10[%rem3A_270, %dma_wait3A_283, %dma_wait3A_284] : memref<2x512x64xf32, #tpu.memory_space<vmem>> -> memref<1x512x64xf32, #tpu.memory_space<vmem>>
          %dma_wait3A_286 = tpu.memref_squeeze %dma_wait3A_285 : memref<1x512x64xf32, #tpu.memory_space<vmem>> -> memref<512x64xf32, #tpu.memory_space<vmem>>
          tpu.wait_dma2 semaphore(%dma_wait3A_280 : memref<!tpu.dma_semaphore, #tpu.memory_space<semaphore_mem>>) src(%dma_wait3A_286 : memref<512x64xf32, #tpu.memory_space<vmem>>) dst(%dma_wait3A_282 : memref<512x64xf32, #tpu.memory_space<hbm>>)
          "tpu.trace_stop"() : () -> ()
        } else {
        }
        %and3A_249 = arith.constant true
        %and3A_250 = arith.andi %and3A_245, %and3A_249 : i1
        %add3A_251 = arith.constant 1 : i32
        %add3A_252 = arith.addi %scan3A_128, %add3A_251 : i32
        %select_n3A_253 = arith.select %and3A_250, %add3A_252, %scan3A_128 : i32
        %ne3A_254 = arith.cmpi ne, %add3A_134, %add3A_152 : i32
        %or3A_255 = arith.constant false
        %or3A_256 = arith.ori %or3A_255, %ne3A_254 : i1
        %or3A_257 = arith.ori %or3A_256, %eq3A_133 : i1
        %add3A_258 = arith.constant 1 : i32
        %add3A_259 = arith.addi %scan3A_126, %add3A_258 : i32
        %select_n3A_260 = arith.select %or3A_257, %add3A_259, %scan3A_126 : i32
        %add3A_261 = arith.constant 1 : i32
        %add3A_262 = arith.addi %scan3A_129, %add3A_261 : i32
        %select_n3A_263 = arith.constant true
        %select_n3A_264 = arith.select %select_n3A_263, %add3A_262, %scan3A_129 : i32
        %eq3A_265 = arith.constant 50 : i32
        %eq3A_266 = arith.cmpi eq, %select_n3A_264, %eq3A_265 : i32
        %select_n3A_267 = arith.constant 0 : i32
        %select_n3A_268 = arith.select %eq3A_266, %select_n3A_267, %select_n3A_264 : i32
        scf.yield %select_n3A_172, %select_n3A_260, %select_n3A_226, %select_n3A_253, %select_n3A_268 : i32, i32, i32, i32, i32
      }
      %scan3A_71 = arith.constant 50 : i32
      %sub3A = arith.constant 1 : i32
      %sub3A_72 = arith.subi %scan3A_70#4, %sub3A : i32
      %select_n3A_73 = arith.constant true
      %select_n3A_74 = arith.select %select_n3A_73, %sub3A_72, %scan3A_70#4 : i32
      %eq3A_75 = arith.constant -1 : i32
      %eq3A_76 = arith.cmpi eq, %select_n3A_74, %eq3A_75 : i32
      %select_n3A_77 = arith.constant 49 : i32
      %select_n3A_78 = arith.select %eq3A_76, %select_n3A_77, %select_n3A_74 : i32
      %add3A_79 = arith.addi %select_n3A_78, %mul3A_8 : i32
      %sub3A_80 = arith.constant 1 : i32
      %sub3A_81 = arith.subi %select_n3A_78, %sub3A_80 : i32
      %select_n3A_82 = arith.constant true
      %select_n3A_83 = arith.select %select_n3A_82, %sub3A_81, %select_n3A_78 : i32
      %eq3A_84 = arith.constant -1 : i32
      %eq3A_85 = arith.cmpi eq, %select_n3A_83, %eq3A_84 : i32
      %select_n3A_86 = arith.constant 49 : i32
      %select_n3A_87 = arith.select %eq3A_85, %select_n3A_86, %select_n3A_83 : i32
      %add3A_88 = arith.addi %select_n3A_87, %mul3A_8 : i32
      %add3A_89 = arith.constant 1 : i32
      %add3A_90 = arith.addi %select_n3A_78, %add3A_89 : i32
      %select_n3A_91 = arith.constant true
      %select_n3A_92 = arith.select %select_n3A_91, %add3A_90, %select_n3A_78 : i32
      %eq3A_93 = arith.constant 50 : i32
      %eq3A_94 = arith.cmpi eq, %select_n3A_92, %eq3A_93 : i32
      %select_n3A_95 = arith.constant 0 : i32
      %select_n3A_96 = arith.select %eq3A_94, %select_n3A_95, %select_n3A_92 : i32
      %add3A_97 = arith.addi %select_n3A_96, %mul3A_8 : i32
      %add3A_98 = arith.constant 1 : i32
      %add3A_99 = arith.addi %select_n3A_96, %add3A_98 : i32
      %select_n3A_100 = arith.constant true
      %select_n3A_101 = arith.select %select_n3A_100, %add3A_99, %select_n3A_96 : i32
      %eq3A_102 = arith.constant 50 : i32
      %eq3A_103 = arith.cmpi eq, %select_n3A_101, %eq3A_102 : i32
      %select_n3A_104 = arith.constant 0 : i32
      %select_n3A_105 = arith.select %eq3A_103, %select_n3A_104, %select_n3A_101 : i32
      %add3A_106 = arith.addi %select_n3A_105, %mul3A_8 : i32
      "tpu.trace_start"() <{level = 10 : i32, message = "ep_finalize"}> : () -> ()
      %rem3A_107 = arith.constant 2 : i32
      %rem3A_108 = arith.remui %scan3A_70#3, %rem3A_107 : i32
      %mul3A_109 = arith.constant 512 : i32
      %mul3A_110 = arith.muli %mul3A_109, %add3A_79 : i32
      %dma_wait3A = arith.constant 0 : i32
      %dma_wait3A_111 = arith.constant 0 : i32
      %dma_wait3A_112 = tpu.memref_slice %run_scoped3A_10[%rem3A_108, %dma_wait3A, %dma_wait3A_111] : memref<2x512x64xf32, #tpu.memory_space<vmem>> -> memref<1x512x64xf32, #tpu.memory_space<vmem>>
      %dma_wait3A_113 = tpu.memref_squeeze %dma_wait3A_112 : memref<1x512x64xf32, #tpu.memory_space<vmem>> -> memref<512x64xf32, #tpu.memory_space<vmem>>
      %dma_wait3A_114 = arith.constant 0 : i32
      %dma_wait3A_115 = tpu.memref_slice %arg4[%mul3A_110, %dma_wait3A_114] : memref<819200x64xf32, #tpu.memory_space<hbm>> -> memref<512x64xf32, #tpu.memory_space<hbm>>
      %dma_wait3A_116 = tpu.memref_slice %run_scoped3A_11[%rem3A_108] : memref<2x!tpu.dma_semaphore, #tpu.memory_space<semaphore_mem>> -> memref<1x!tpu.dma_semaphore, #tpu.memory_space<semaphore_mem>>
      %dma_wait3A_117 = tpu.memref_squeeze %dma_wait3A_116 : memref<1x!tpu.dma_semaphore, #tpu.memory_space<semaphore_mem>> -> memref<!tpu.dma_semaphore, #tpu.memory_space<semaphore_mem>>
      %dma_wait3A_118 = arith.constant 0 : i32
      %dma_wait3A_119 = tpu.memref_slice %arg4[%mul3A_110, %dma_wait3A_118] : memref<819200x64xf32, #tpu.memory_space<hbm>> -> memref<512x64xf32, #tpu.memory_space<hbm>>
      %dma_wait3A_120 = arith.constant 0 : i32
      %dma_wait3A_121 = arith.constant 0 : i32
      %dma_wait3A_122 = tpu.memref_slice %run_scoped3A_10[%rem3A_108, %dma_wait3A_120, %dma_wait3A_121] : memref<2x512x64xf32, #tpu.memory_space<vmem>> -> memref<1x512x64xf32, #tpu.memory_space<vmem>>
      %dma_wait3A_123 = tpu.memref_squeeze %dma_wait3A_122 : memref<1x512x64xf32, #tpu.memory_space<vmem>> -> memref<512x64xf32, #tpu.memory_space<vmem>>
      tpu.wait_dma2 semaphore(%dma_wait3A_117 : memref<!tpu.dma_semaphore, #tpu.memory_space<semaphore_mem>>) src(%dma_wait3A_123 : memref<512x64xf32, #tpu.memory_space<vmem>>) dst(%dma_wait3A_119 : memref<512x64xf32, #tpu.memory_space<hbm>>)
      "tpu.trace_stop"() : () -> ()
      tpu.yield
    }) : () -> ()
    return
  }
}

module attributes {stable_mosaic.version = 14 : i64} {
  func.func @_tr_body(%arg0: i32, %arg1: memref<6400x128xf32, #tpu.memory_space<vmem>>, %arg2: memref<3200x256xf32, #tpu.memory_space<vmem>>) attributes {dimension_semantics = [#tpu.dimension_semantics<arbitrary>], iteration_bounds = array<i64: 64>, scalar_prefetch = 0 : i64, scratch_operands = 0 : i64, tpu.core_type = #tpu.core_type<tc>, window_params = [{transform_indices = @transform_0, window_bounds = array<i64: 6400, 128>}, {transform_indices = @transform_1, window_bounds = array<i64: 3200, 256>}]} {
    %get3A = arith.constant 0 : index
    %get3A_0 = arith.constant 0 : index
    %get3A_1 = vector.load %arg1[%get3A, %get3A_0] : memref<6400x128xf32, #tpu.memory_space<vmem>>, vector<6400x128xf32>
    %reshape3A = vector.shape_cast %get3A_1 : vector<6400x128xf32> to vector<256x3200xf32>
    %transpose3A = tpu.transpose %reshape3A, [1, 0] : vector<256x3200xf32> -> vector<3200x256xf32>
    %swap3A = arith.constant 0 : index
    %swap3A_2 = arith.constant 0 : index
    %swap3A_3 = vector.load %arg2[%swap3A, %swap3A_2] : memref<3200x256xf32, #tpu.memory_space<vmem>>, vector<3200x256xf32>
    tpu.vector_store %arg2[%swap3A, %swap3A_2], %transpose3A {strides = array<i32>} : memref<3200x256xf32, #tpu.memory_space<vmem>>, vector<3200x256xf32>,
    return
  }
  func.func @transform_0(%arg0: i32) -> (i32, i32) {
    %c0_i32 = arith.constant 0 : i32
    %c0_i32_0 = arith.constant 0 : i32
    return %arg0, %c0_i32 : i32, i32
  }
  func.func @transform_1(%arg0: i32) -> (i32, i32) {
    %c0_i32 = arith.constant 0 : i32
    %c0_i32_0 = arith.constant 0 : i32
    return %c0_i32, %arg0 : i32, i32
  }
}

</mosaic_0001>

<sc_bundles>
// kernel: kernel.6.cloned.1.call-start
scs
__scs_entry_jumppad:
0x0: {  	(pc) =	sbr.rel $0x88, $3  }
0x1: {  	(tag) =	ssettag $0x0;
	lr =	simm.s32 $0x1  }
0x2: {  	[smem:$0x3F9D] =	sst lr;
	_ =	strace $0xD0000000  }
0x3: {  	_ = 	snop  }
0x4: {  	_ = 	snop  }
0x5: {  	_ = 	snop  }
0x6: {  	_ = 	snop  }
0x7: {  	_ = 	snop  }
__scs_overlays_trampoline_lowered:
0x8: {  	[smem:$0x3FAC] =	sst s0  }
0x9: {  	[smem:$0x3FAD] =	sst s1  }
0xa: {  	[smem:$0x3FAE] =	sst s2  }
0xb: {  	[smem:$0x3FAF] =	sst s3  }
0xc: {  	[smem:$0x3FB0] =	sst s4  }
0xd: {  	[smem:$0x3FB1] =	sst s5  }
0xe: {  	[smem:$0x3FB2] =	sst s6  }
0xf: {  	[smem:$0x3FB3] =	sst s7  }
0x10: {  	[smem:$0x3FB4] =	sst s8  }
0x11: {  	[smem:$0x3FB5] =	sst s9;
	s0 =	simm.s32 @!p0 $0x0  }
0x12: {  	s1 =	sld [smem:$0x3F9B];
	s0 =	simm.s32 @p0 $0x1  }
0x13: {  	[smem:$0x3FB6] =	sst s0;
	s0 =	simm.s32 @!p1 $0x0  }
0x14: {  	s2 =	sld [smem:$0x3F9A];
	s0 =	simm.s32 @p1 $0x1  }
0x15: {  	[smem:$0x3FB7] =	sst s0;
	s0 =	simm.s32 @!p2 $0x0  }
0x16: {  	s3 =	sld [smem:$0x3FDB];
	s0 =	simm.s32 @p2 $0x1  }
0x17: {  	s4 =	simm.s32 $0x1BF5;
	[smem:$0x3FB9] =	sst s0  }
0x18: {  	s0 =	sld [smem:$0x3F9C];
	_ =	swait.ge [sflag:s4], $0x0  }
0x19: {  	s7 =	sld [smem:$0x3F9D]  }
0x1a: {  	s8 =	sadd.s32 $0xFFFFE003, lr  }
0x1b: {  	s9 =	sadd.s32 $0xFFFFFEF7, lr;
	s5 =	simm.s32 $0xFFFFFFFF;
	p2 =	slt.u32 s8, $0xFFFFF086  }
0x1c: {  	p1 =	slt.u32 s9, $0xF7A;
	s5 =	simm.s32 @!p2 $0x0  }
0x1d: {  	s5 =	simm.s32 @p1 $0x1;
	p0 =	seq.s32 s7, s2  }
0x1e: {  	s7 =	smul.u32 @!p0 $0xF7A, s2;
	p2 =	seq.s32 @!p0 s5, $0x0  }
0x1f: {  	s9 =	smul.u32 $0xF7A, s1;
	s8 =	simm.s32 @!p0 $0x1BF5;
	p2 =	por !p2, p0  }
0x20: {  	[sflag:s8] =	ssyncset.s32 @!p0 $0xFFFFF086;
	s6 =	sadd.s32 @!p0 s3, s7;
	s7 =	simm.s32 @!p0 $0x108  }
0x21: {  	s3 =	sadd.s32 s3, s9;
	s6 =	sadd.s32 @!p0 $0x88, s6;
	s7 =	simm.s32 @p2 $0x1082  }
0x22: {  	[simem:s7], [sflag:s8] =	dma.local @!p0 [hbm:s6], $0xF7A  }
0x23: {  	s9 =	sor.u32 $0xD0000000, s2;
	s6 =	simm.s32 $0x108;
	_ =	swait.ge @!p0 [sflag:s8], $0x0  }
0x24: {  	s3 =	sadd.s32 $0x88, s3;
	s6 =	simm.s32 @!p1 $0x1082;
	[sflag:s4] =	ssyncset.s32 $0xFFFFF086  }
0x25: {  	[simem:s6], [sflag:s4] =	dma.local [hbm:s3], $0xF7A  }
0x26: {  	[smem:$0x3F9D] =	sst s1;
	(tag) =	ssettag s2;
	_ =	strace s9  }
0x27: {  	s1 =	sld [smem:$0x3FAD]  }
0x28: {  	s2 =	sld [smem:$0x3FAE]  }
0x29: {  	s4 =	sld [smem:$0x3FB0]  }
0x2a: {  	p0 =	seq.s32 s5, $0x0;
	s5 =	sld [smem:$0x3FB1]  }
0x2b: {  	s6 =	sld [smem:$0x3FB2]  }
0x2c: {  	s7 =	sld [smem:$0x3FB3]  }
0x2d: {  	s3 =	simm.s32 $0x108;
	s8 =	sld [smem:$0x3FB4]  }
0x2e: {  	s3 =	simm.s32 @!p0 $0x1082;
	s9 =	sld [smem:$0x3FB5]  }
0x2f: {  	lr =	sadd.s32 s0, s3;
	s0 =	sld [smem:$0x3FAC]  }
0x30: {  	s3 =	sld [smem:$0x3FAF]  }
0x31: {  	[smem:$0x3FB8] =	sst s10  }
0x32: {  	s10 =	sld [smem:$0x3FB6];
	_ =	sdelay $0x3  }
0x33: {  	p0 =	seq.s32 s10, $0x1;
	s10 =	sld [smem:$0x3FB8];
	_ =	sdelay $0x3  }
0x34: {  	[smem:$0x3FB8] =	sst s10  }
0x35: {  	s10 =	sld [smem:$0x3FB7];
	_ =	sdelay $0x3  }
0x36: {  	p1 =	seq.s32 s10, $0x1;
	s10 =	sld [smem:$0x3FB8];
	_ =	sdelay $0x3  }
0x37: {  	[smem:$0x3FB8] =	sst s10  }
0x38: {  	s10 =	sld [smem:$0x3FB9]  }
0x39: {  	_ = 	snop;
	(pc) =	sbr.ind lr, $3  }
0x3a: {  	_ = 	snop  }
0x3b: {  	_ = 	snop  }
0x3c: {  	p2 =	seq.s32 s10, $0x1;
	s10 =	sld [smem:$0x3FB8]  }
0x3d: {  	_ =	shalt  }
0x3e: {  	_ =	shalt  }
0x3f: {  	_ =	shalt  }
0x40: {  	_ =	shalt  }
0x41: {  	_ =	shalt  }
0x42: {  	_ =	shalt  }
0x43: {  	_ =	shalt  }
0x44: {  	_ =	shalt  }
0x45: {  	_ =	shalt  }
0x46: {  	_ =	shalt  }
0x47: {  	_ =	shalt  }
0x48: {  	_ =	shalt  }
0x49: {  	_ =	shalt  }
0x4a: {  	_ =	shalt  }
0x4b: {  	_ =	shalt  }
0x4c: {  	_ =	shalt  }
0x4d: {  	_ =	shalt  }
0x4e: {  	_ =	shalt  }
0x4f: {  	_ =	shalt  }
0x50: {  	_ =	shalt  }
0x51: {  	_ =	shalt  }
0x52: {  	_ =	shalt  }
0x53: {  	_ =	shalt  }
0x54: {  	_ =	shalt  }
0x55: {  	_ =	shalt  }
0x56: {  	_ =	shalt  }
0x57: {  	_ =	shalt  }
0x58: {  	_ =	shalt  }
0x59: {  	_ =	shalt  }
0x5a: {  	_ =	shalt  }
0x5b: {  	_ =	shalt  }
0x5c: {  	_ =	shalt  }
0x5d: {  	_ =	shalt  }
0x5e: {  	_ =	shalt  }
0x5f: {  	_ =	shalt  }
0x60: {  	_ =	shalt  }
0x61: {  	_ =	shalt  }
0x62: {  	_ =	shalt  }
0x63: {  	_ =	shalt  }
0x64: {  	_ =	shalt  }
0x65: {  	_ =	shalt  }
0x66: {  	_ =	shalt  }
0x67: {  	_ =	shalt  }
0x68: {  	_ =	shalt  }
0x69: {  	_ =	shalt  }
0x6a: {  	_ =	shalt  }
0x6b: {  	_ =	shalt  }
0x6c: {  	_ =	shalt  }
0x6d: {  	_ =	shalt  }
0x6e: {  	_ =	shalt  }
0x6f: {  	_ =	shalt  }
0x70: {  	_ =	shalt  }
0x71: {  	_ =	shalt  }
0x72: {  	_ =	shalt  }
0x73: {  	_ =	shalt  }
0x74: {  	_ =	shalt  }
0x75: {  	_ =	shalt  }
0x76: {  	_ =	shalt  }
0x77: {  	_ =	shalt  }
0x78: {  	_ =	shalt  }
0x79: {  	_ =	shalt  }
0x7a: {  	_ =	shalt  }
0x7b: {  	_ =	shalt  }
0x7c: {  	_ =	shalt  }
0x7d: {  	_ =	shalt  }
0x7e: {  	_ =	shalt  }
0x7f: {  	_ =	shalt  }
0x80: {  	_ =	shalt  }
0x81: {  	_ =	shalt  }
0x82: {  	_ =	shalt  }
0x83: {  	_ =	shalt  }
0x84: {  	_ =	shalt  }
0x85: {  	_ =	shalt  }
0x86: {  	_ =	shalt  }
0x87: {  	_ =	shalt  }
.Lfunc_end0:
.L_simem_size_0:
called_computation_lowered:
.L_overlay_start_0:
0x88: {  	s2 =	sld [smem:$0x3FD9]  }
0x89: {  	s3 =	sld [smem:$0x3FFE];
	_ =	sdelay $0x1  }
0x8a: {  	s1 =	srdreg.scid  }
0x8b: {  	s0 =	sand.u32 $0x1, s1  }
0x8c: {  	s14 =	sshll.u32 s0, $0xA;
	s2 =	sadd.s32 s3, s2  }
0x8d: {  	s2 =	sadd.s32 s2, s14  }
0x8e: {  	[smem:$0x3FC4] =	sst s2  }
0x8f: {  	_ = 	snop  }
0x90: {  	s2 =	sld [smem:$0x3FD0];
	_ =	sdelay $0x2  }
0x91: {  	s15 =	simm.s32 $0xB;
	s4 =	simm.s32 $0x10  }
0x92: {  	[smem:s4], [sflag:s15] =	dma.local [hbm:s2], $0x1  }
0x93: {  	_ =	swait.eq [sflag:s15], $0x1  }
0x94: {  	[sflag:s15] =	ssyncset.done $0x0  }
0x95: {  	s16 =	sld [smem:$0x10];
	[sflag:s15] =	ssyncadd.s32 $0xFFFFFFFF  }
0x96: {  	s17 =	sld [smem:$0x11];
	(tm) =	ssettm $0x1  }
0x97: {  	s18 =	sld [smem:$0x3FFB];
	_ =	sdelay $0x3  }
0x98: {  	_ =	strace s18  }
0x99: {  	s4 =	sld [smem:$0x3FFC];
	_ =	sdelay $0x3  }
0x9a: {  	_ =	strace s4  }
0x9b: {  	s4 =	sld [smem:$0x3FFD];
	_ =	sdelay $0x3  }
0x9c: {  	_ =	strace s4  }
0x9d: {  	_ =	strace $0x8FFFFFFF  }
0x9e: {  	s19 =	sld [smem:$0x3FDB];
	_ =	sdelay $0x1  }
0x9f: {  	s5 =	simm.s32 $_scs_section_size  }
0xa0: {  	s6 =	simm.s32 $_size__tile_overlayer_lowered;
	s7 =	simm.s32 $_tile_overlayer_lowered  }
0xa1: {  	s22 =	simm.s32 $0x1BFF;
	s21 =	sshll.u32 s7, $0x1;
	s4 =	sadd.s32 s5, s19  }
0xa2: {  	s8 =	simm.s32 $0x0;
	s20 =	sshll.u32 s6, $0x1;
	s6 =	sadd.s32 s21, s4  }
0xa3: {  	[timem:s8], [sflag:s22] =	dma.local [hbm:s6], s20  }
0xa4: {  	_ =	swait.ge [sflag:s22], s20  }
0xa5: {  	s5 =	ssub.s32 $0x0, s20;
	[sflag:s22] =	ssyncset.done $0x0  }
0xa6: {  	[sflag:s22] =	ssyncadd.s32 s5;
	_ =	sdelay $0x1  }
0xa7: {  	s23 =	simm.s32 $0x1B8B  }
0xa8: {  	_ =	swait.ge [sflag:s23], $0x1  }
0xa9: {  	[sflag:s23] =	ssyncset.done $0x0  }
0xaa: {  	s25 =	simm.s32 $0x1B8E;
	s24 =	sld [smem:$0x3FFE];
	[sflag:s23] =	ssyncadd.s32 $0xFFFFFFFF  }
0xab: {  	s26 =	simm.s32 $execute0_lowered;
	[smem:$0x3FD2] =	sst s25  }
0xac: {  	s6 =	sshll.u32 s26, $0x1;
	_ =	strace $0x80000046;
	[dreg:$0x1] =	wrdreg $0xFFFFFFFF  }
0xad: {  	s28 =	simm.s32 $_size_execute0_lowered;
	s4 =	sadd.s32 s4, s6;
	[dreg:$0x0] =	wrdreg $0x0  }
0xae: {  	s6 =	sshll.u32 s28, $0x1;
	[dreg:$0x2] =	wrdreg s4  }
0xaf: {  	[dreg:$0x3] =	wrdreg s6  }
0xb0: {  	[dreg:$0x4] =	wrdreg $0xC0  }
0xb1: {  	_ =	task [dreg:s8], $0x5FFFF  }
0xb2: {  	[dreg:$0x1] =	wrdreg $0xFFFFFFFF  }
0xb3: {  	[dreg:$0x0] =	wrdreg $0x60  }
0xb4: {  	[dreg:$0x2] =	wrdreg s16  }
0xb5: {  	[dreg:$0x3] =	wrdreg s24  }
0xb6: {  	[dreg:$0x4] =	wrdreg s17  }
0xb7: {  	[dreg:$0x5] =	wrdreg $0x0  }
0xb8: {  	[dreg:$0x6] =	wrdreg $0x9  }
0xb9: {  	_ =	task.clear_ibuf [dreg:s8], $0x7FFFF;
	_ =	strace $0x90000046  }
0xba: {  	s29 =	simm.s32 $0x9;
	_ =	strace $0x8000004F  }
0xbb: {  	_ =	swait.ge [sflag:s29], $0x1  }
0xbc: {  	[sflag:s29] =	ssyncadd.s32 $0xFFFFFFFF  }
0xbd: {  	_ =	strace $0x9000004F  }
0xbe: {  	_ =	sfence  }
0xbf: {  	s30 =	sld [smem:$0x0];
	_ =	sdelay $0x2  }
0xc0: {  	s31 =	sshll.u32 s1, $0xD;
	s1 =	sshrl.u32 s1, $0x2  }
0xc1: {  	s3 =	sand.u32 $0x4000, s31;
	s1 =	sadd.s32 s1, s30  }
0xc2: {  	s0 =	sor.u32 s3, s0;
	s1 =	sshll.u32 s1, $0x11  }
0xc3: {  	s0 =	sor.u32 s1, s0  }
0xc4: {  	s0 =	sadd.s32 $0x8F2B, s0  }
0xc5: {  	[sflag:s0] =	ssyncadd.remote.s32 $0x1  }
0xc6: {  	_ =	sfence.sel $0xFFFF  }
0xc7: {  	[dreg:$0x0] =	wrdreg $0xFFFFFFFF;
	(pc) =	sbr.abs _section_cstart, $3  }
0xc8: {  	[dreg:$0x1] =	wrdreg $0xFFFFFFFF  }
0xc9: {  	_ =	task.clear_ibuf [dreg:s8], $0x2FFFF;
	_ =	strace $0x9FFFFFFF  }
0xca: {  	(tm) =	ssettm $0x7FFFFFFF  }
0xcb: {  	_ =	shalt  }
tec
execute0_lowered:
.L_overlay_start_1:
0x0: {  	(tag) =	ssettag $0x1  }
0x1: {  	s0 =	rddreg [dreg:$0x0]  }
0x2: {  	s4 =	rddreg [dreg:$0x1]  }
0x3: {  	s1 =	rddreg [dreg:$0x2]  }
0x4: {  	s30 =	srdreg.scid;
	s2 =	rddreg [dreg:$0x3]  }
0x5: {  	s7 =	stileid.u32;
	s3 =	simm.s32 $0x0;
	s11 =	simm.s32 $0x200  }
0x6: {  	s12 =	simm.s32 $0x4;
	s13 =	simm.s32 $0x0;
	[dreg:$0x6] =	wrdreg s1  }
0x7: {  	s5 =	sand.u32 $0x1, s30;
	[smem:$0x7FF] =	sst s3;
	s31 =	sadd.s32 $0xC00, s4  }
0x8: {  	p0 =	sne.s32 s7, $0x0;
	s6 =	sshll.u32 s5, $0x4;
	s5 =	ssub.s32 $0x2, s5  }
0x9: {  	_ =	strace $0x80000047;
	[dreg:$0x7] =	wrdreg s31;
	s6 =	sor.u32 s7, s6  }
0xa: {  	[dreg:$0x5] =	wrdreg s11;
	s8 =	sshrl.u32 s5, $0x1;
	s9 =	smul.u32 $0xC80, s6  }
0xb: {  	s11 =	simm.s32 $0x5;
	s8 =	ssub.s32 s5, s8;
	s5 =	smul.u32 $0x32, s6  }
0xc: {  	s7 =	smax.u32 s8, $0x1;
	s8 =	sshrl.u32 @!p0 s2, $0x3;
	s6 =	sadd.s32 s0, s9  }
.LBB2_1:
0xd: {  	s14 =	simm.s32 @!p0 $0x1C01  }
0xe: {  	s1 =	rddreg [dreg:$0x7];
	s22 =	simm.s32 $0x20;
	s15 =	simm.s32 $0x1  }
0xf: {  	[spmem:s8], [sflag:s14] =	dma.local @!p0 [hbm:s1], $0x40  }
0x10: {  	p1 =	por $0x0, $0x0;
	p2 =	por $0x1, $0x1;
	s14 =	simm.s32 @!p0 $0x1  }
0x11: {  	s24 =	sand.u32 $0x1, s3;
	s15 =	simm.s32 @p1 $0x0;
	_ =	swait.ge @!p0 [sflag:s14], $0x40  }
0x12: {  	s25 =	simm.s32 $0x0;
	p1 =	sne.s32 s15, $0x0;
	[sflag:s14] =	ssyncset.done @!p0 $0x0  }
0x13: {  	s19 =	sadd.s32 $0x0, s5;
	p2 =	por !p2, !p1;
	[sflag:s14] =	ssyncadd.s32 @!p0 $0xFFFFFFC0  }
0x14: {  	s1 =	simm.s32 $0x1;
	p3 =	por !p2, !p2;
	[bflag:$0x0] =	sbarrier.arrive $0xFFFF  }
0x15: {  	s14 =	sadd.s32 @p3 s5, s15;
	s16 =	sand.u32 @p3 $0x1, s1;
	s18 =	simm.s32 @p3 $0x0  }
0x16: {  	_ =	strace $0x80000048;
	s14 =	sshll.u32 @p3 s14, $0x6;
	s17 =	sshll.u32 @p3 s16, $0x9  }
0x17: {  	[tilespmem:s22], [sflag:$0x1] =	stream.linear.gather [hbm4b:s6+s3], $0x200, $0x200038;
	[tilespmem:$0x10420] =	vst v63  }
0x18: {  	s16 =	sadd.s32 @p3 $0x1, s16;
	s14 =	sand.u32 @p3 $0x1FFFFFC0, s14;
	_ =	strace $0x90000048  }
0x19: {  	s17 =	sor.u32 @p3 $0x20, s17;
	s14 =	sadd.s32 @p3 s0, s14;
	_ =	strace @p3 $0x80000049  }
0x1a: {  	[tilespmem:s17], [sflag:s16] =	stream.linear.gather @p3 [hbm4b:s14+s18], $0x200, $0x200038;
	[tilespmem:$0x10420] =	vst v63  }
0x1b: {  	p4 =	por $0x0, $0x0;
	p6 =	por $0x0, $0x0;
	_ =	strace @p3 $0x90000049  }
0x1c: {  	s23 =	sadd.s32 $0x1, s24;
	s21 =	sshll.u32 s24, $0xF;
	_ =	strace $0x8000004A  }
0x1d: {  	s26 =	sand.u32 $0x200, s25;
	s25 =	sor.u32 $0x420, s21;
	_ =	swait.ge [sflag:s23], $0x200  }
0x1e: {  	s21 =	simm.s32 $0x0;
	p2 =	por $0x1, $0x1;
	[sflag:s23] =	ssyncset.done $0x0  }
0x1f: {  	s14 =	simm.s32 $0x31;
	s17 =	simm.s32 $0x30;
	[sflag:s23] =	ssyncadd.s32 $0xFFFFFE00  }
0x20: {  	s18 =	sand.u32 @!p2 $0x1, s3;
	p2 =	por p2, p2;
	_ =	strace $0x9000004A  }
0x21: {  	s16 =	sor.u32 $0x20, s26;
	s26 =	simm.s32 $0x1;
	_ =	strace $0x8000004B  }
0x22: {  	s22 =	sadd.s32 @!p2 $0x3, s18;
	s18 =	simm.s32 $0x1;
	s20 =	rddreg [dreg:$0x5]  }
0x23: {  	[tilespmem:s25], [sflag:$0x5] =	stream.indirect.gather [spmem:s2], $0x40, s16, s20, $0x2000b8;
	[tilespmem:$0x10420] =	vst v63  }
0x24: {  	s18 =	simm.s32 @!p4 $0x0;
	s20 =	sadd.s32 $0x1, s15;
	s16 =	simm.s32 $0x1  }
0x25: {  	_ =	swait.ge [sflag:s11], $0x8000;
	p5 =	seq.s32 s20, $0x32;
	s16 =	simm.s32 @!p3 $0x0  }
0x26: {  	[sflag:s11] =	ssyncset.done $0x0;
	s20 =	simm.s32 @p5 $0x0;
	p5 =	por p6, p1  }
0x27: {  	p6 =	por $0x1, $0x1;
	s23 =	sadd.s32 $0x1, s16;
	s16 =	simm.s32 $0x0  }
0x28: {  	[sflag:s11] =	ssyncadd.s32 $0xFFFF8000;
	p1 =	sne.s32 s15, s20;
	s28 =	sshll.u32 @p5 s19, $0xC  }
0x29: {  	s26 =	simm.s32 @!p5 $0x0;
	p3 =	por !p6, !p1;
	_ =	strace $0x9000004B  }
0x2a: {  	s19 =	simm.s32 $0x0;
	p3 =	por !p3, !p3;
	_ =	strace @p5 $0x8000004C  }
0x2b: {  	s29 =	sand.u32 @p3 $0x1, s23;
	s31 =	sadd.s32 @p3 s5, s20;
	s30 =	rddreg [dreg:$0x6]  }
.LBB2_2:
0x2c: {  	s31 =	sshll.u32 @p3 s31, $0x6;
	s1 =	sand.u32 @p5 $0x1FFFF000, s28;
	s9 =	simm.s32 @p5 $0x0  }
0x2d: {  	s28 =	smov.u32 s14;
	s14 =	smov.u32 s17;
	s10 =	smov.u32 s15  }
0x2e: {  	s15 =	sshll.u32 @p3 s29, $0x9;
	s24 =	sadd.s32 @p5 $0x3, s24;
	s19 =	sadd.s32 s26, s19  }
0x2f: {  	s21 =	sadd.s32 s26, s21;
	s17 =	sadd.s32 $0xFFFFFFFF, s17;
	s1 =	sadd.s32 @p5 s30, s1  }
0x30: {  	[hbm4b:s1+s9] =	stream.linear.scatter @p5 [tilespmem:s25], [sflag:s24], $0x8000, $0x200038;
	[tilespmem:$0x10420] =	vst v63  }
0x31: {  	s16 =	sadd.s32 s18, s16;
	s31 =	sand.u32 @p3 $0x1FFFFFC0, s31;
	_ =	strace @p5 $0x9000004C  }
0x32: {  	s4 =	sor.u32 @p3 $0x20, s15;
	s26 =	sand.u32 $0x1, s21;
	_ =	strace @!p2 $0x8000004D  }
0x33: {  	p4 =	sne.s32 s17, $0x0;
	s15 =	smov.u32 s20;
	_ =	swait.ge @!p2 [sflag:s22], $0x8000  }
0x34: {  	s20 =	sadd.s32 $0x1, s20;
	s31 =	sadd.s32 @p3 s0, s31;
	[sflag:s22] =	ssyncset.done @!p2 $0x0  }
0x35: {  	s25 =	sshll.u32 s21, $0x9;
	s24 =	simm.s32 @p3 $0x0;
	[sflag:s22] =	ssyncadd.s32 @!p2 $0xFFFF8000  }
0x36: {  	s1 =	sadd.s32 $0x1, s26;
	p6 =	seq.s32 s20, $0x32;
	_ =	strace @!p2 $0x9000004D  }
0x37: {  	s9 =	sand.u32 $0x200, s25;
	s22 =	sadd.s32 @p3 $0x1, s29;
	_ =	strace @p3 $0x80000049  }
0x38: {  	[tilespmem:s4], [sflag:s22] =	stream.linear.gather @p3 [hbm4b:s31+s24], $0x200, $0x200038;
	[tilespmem:$0x10420] =	vst v63  }
0x39: {  	p5 =	seq.s32 s28, $0x32;
	s20 =	simm.s32 @p6 $0x0;
	_ =	strace @p3 $0x90000049  }
0x3a: {  	p6 =	sne.s32 s14, $0x1;
	s18 =	sand.u32 @!p5 $0x1, s16;
	_ =	strace $0x8000004A  }
0x3b: {  	s9 =	sor.u32 $0x20, s9;
	p2 =	por p5, p5;
	_ =	swait.ge [sflag:s1], $0x200  }
0x3c: {  	p5 =	sne.s32 s28, $0x32;
	s24 =	sand.u32 $0x1, s19;
	[sflag:s1] =	ssyncset.done $0x0  }
0x3d: {  	s22 =	sadd.s32 @!p2 $0x3, s18;
	s18 =	simm.s32 $0x1;
	[sflag:s1] =	ssyncadd.s32 $0xFFFFFE00  }
0x3e: {  	s26 =	sshll.u32 s24, $0xF;
	s18 =	simm.s32 @!p5 $0x0;
	_ =	strace $0x9000004A  }
0x3f: {  	p5 =	seq.s32 s28, $0x1;
	s25 =	sor.u32 $0x420, s26;
	_ =	strace $0x8000004B  }
0x40: {  	p5 =	por p5, p1;
	s26 =	simm.s32 $0x1;
	s4 =	rddreg [dreg:$0x5]  }
0x41: {  	[tilespmem:s25], [sflag:$0x5] =	stream.indirect.gather [spmem:s2], $0x40, s9, s4, $0x2000b8;
	[tilespmem:$0x10420] =	vst v63  }
0x42: {  	p1 =	sne.s32 s15, s20;
	s26 =	simm.s32 @!p5 $0x0;
	_ =	swait.ge [sflag:s11], $0x8000  }
.Ltmp0:
0x43: {  	s1 =	sadd.s32 s5, s10;
	[sflag:s11] =	ssyncset.done $0x0;
	(pc) =	sbr.rel @p4 .LBB2_2-.Ltmp0, $4  }
0x44: {  	s28 =	sshll.u32 @p5 s1, $0xC;
	s4 =	simm.s32 $0x1;
	[sflag:s11] =	ssyncadd.s32 $0xFFFF8000  }
0x45: {  	s4 =	simm.s32 @!p3 $0x0;
	p3 =	por !p6, !p1;
	_ =	strace $0x9000004B  }
0x46: {  	p3 =	por !p3, !p3;
	s23 =	sadd.s32 s4, s23;
	_ =	strace @p5 $0x8000004C  }
0x47: {  	s29 =	sand.u32 @p3 $0x1, s23;
	s31 =	sadd.s32 @p3 s5, s20;
	s30 =	rddreg [dreg:$0x6]  }
0x48: {  	s1 =	sand.u32 @p5 $0x1FFFF000, s28  }
0x49: {  	s4 =	simm.s32 @p5 $0x0;
	s9 =	sadd.s32 @p5 $0x3, s24;
	s1 =	sadd.s32 @p5 s30, s1  }
0x4a: {  	[hbm4b:s1+s4] =	stream.linear.scatter @p5 [tilespmem:s25], [sflag:s9], $0x8000, $0x200038;
	[tilespmem:$0x10420] =	vst v63  }
0x4b: {  	_ =	strace @p5 $0x9000004C  }
0x4c: {  	_ =	strace @!p2 $0x8000004D  }
0x4d: {  	_ =	swait.ge @!p2 [sflag:s22], $0x8000  }
0x4e: {  	s24 =	sadd.s32 s26, s21;
	s10 =	sadd.s32 @p3 $0x1, s29;
	[sflag:s22] =	ssyncset.done @!p2 $0x0  }
0x4f: {  	s1 =	sshll.u32 @p3 s31, $0x6;
	s4 =	sshll.u32 @p3 s29, $0x9;
	[sflag:s22] =	ssyncadd.s32 @!p2 $0xFFFF8000  }
0x50: {  	s17 =	simm.s32 @p3 $0x0;
	s1 =	sand.u32 @p3 $0x1FFFFFC0, s1;
	_ =	strace @!p2 $0x9000004D  }
0x51: {  	s4 =	sor.u32 @p3 $0x20, s4;
	s1 =	sadd.s32 @p3 s0, s1;
	_ =	strace @p3 $0x80000049  }
0x52: {  	[tilespmem:s4], [sflag:s10] =	stream.linear.gather @p3 [hbm4b:s1+s17], $0x200, $0x200038;
	[tilespmem:$0x10420] =	vst v63  }
0x53: {  	s25 =	sand.u32 $0x1, s24;
	_ =	strace @p3 $0x90000049  }
0x54: {  	s1 =	sadd.s32 $0x1, s25;
	_ =	strace $0x8000004A  }
0x55: {  	_ =	swait.ge [sflag:s1], $0x200  }
0x56: {  	[sflag:s1] =	ssyncset.done $0x0  }
0x57: {  	s28 =	sadd.s32 s26, s19;
	[sflag:s1] =	ssyncadd.s32 $0xFFFFFE00  }
0x58: {  	s29 =	sshll.u32 s24, $0x9;
	s1 =	sand.u32 $0x1, s28;
	_ =	strace $0x9000004A  }
0x59: {  	s4 =	sand.u32 $0x200, s29;
	s31 =	sshll.u32 s1, $0xF;
	_ =	strace $0x8000004B  }
0x5a: {  	s4 =	sor.u32 $0x20, s4;
	s10 =	sor.u32 $0x420, s31;
	s30 =	rddreg [dreg:$0x5]  }
0x5b: {  	[tilespmem:s10], [sflag:$0x5] =	stream.indirect.gather [spmem:s2], $0x40, s4, s30, $0x2000b8;
	[tilespmem:$0x10420] =	vst v63  }
0x5c: {  	_ =	swait.ge [sflag:s11], $0x8000  }
0x5d: {  	[sflag:s11] =	ssyncset.done $0x0  }
0x5e: {  	p6 =	seq.s32 s14, $0x1;
	[sflag:s11] =	ssyncadd.s32 $0xFFFF8000  }
0x5f: {  	p1 =	por p6, p1;
	s4 =	sadd.s32 s5, s15;
	_ =	strace $0x9000004B  }
0x60: {  	p2 =	seq.s32 s14, $0x32;
	s4 =	sshll.u32 @p1 s4, $0xC;
	_ =	strace @p1 $0x8000004C  }
0x61: {  	s14 =	sadd.s32 s18, s16;
	s4 =	sand.u32 @p1 $0x1FFFF000, s4;
	s9 =	rddreg [dreg:$0x6]  }
0x62: {  	s1 =	sadd.s32 @p1 $0x3, s1;
	s15 =	simm.s32 @p1 $0x0;
	s4 =	sadd.s32 @p1 s9, s4  }
0x63: {  	[hbm4b:s4+s15] =	stream.linear.scatter @p1 [tilespmem:s10], [sflag:s1], $0x8000, $0x200038;
	[tilespmem:$0x10420] =	vst v63  }
0x64: {  	s1 =	sand.u32 @!p2 $0x1, s14;
	p2 =	por p2, p2;
	_ =	strace @p1 $0x9000004C  }
0x65: {  	s1 =	sadd.s32 @!p2 $0x3, s1;
	_ =	strace @!p2 $0x8000004D  }
0x66: {  	_ =	swait.ge @!p2 [sflag:s1], $0x8000  }
0x67: {  	[sflag:s1] =	ssyncset.done @!p2 $0x0  }
0x68: {  	s13 =	sadd.s32 $0x1, s13;
	[sflag:s1] =	ssyncadd.s32 @!p2 $0xFFFF8000  }
0x69: {  	p1 =	sne.s32 s13, s7;
	_ =	strace @!p2 $0x9000004D  }
.Ltmp1:
0x6a: {  	_ =	strace $0x8000004E;
	(pc) =	sbr.rel @p1 .LBB2_1-.Ltmp1, $4  }
0x6b: {  	_ =	swait.ge [sflag:s12], $0x8000  }
0x6c: {  	[sflag:s12] =	ssyncset.done $0x0  }
0x6d: {  	[sflag:s12] =	ssyncadd.s32 $0xFFFF8000  }
0x6e: {  	_ =	strace $0x9000004E  }
0x6f: {  	_ =	sfence.sel $0x180000  }
0x70: {  	[bflag:$0x0] =	sbarrier.arrive $0xFFFF  }
0x71: {  	_ =	strace $0x90000047  }
0x72: {  	[bflag:$0x2] =	sbarrier.arrive $0xFFFF  }
0x73: {  	s0 =	rddreg [dreg:$0x4]  }
0x74: {  	s0 =	sadd.s32 @!p0 $0x100000, s0  }
0x75: {  	[sflag:s0] =	ssyncadd.tile.s32 @!p0 $0x1;
	_ =	shalt  }
.Lfunc_end2:
_tile_overlayer_lowered:
.L_overlay_start_2:
0x76: {  	(tag) =	ssettag $0x2  }
0x77: {  	s0 =	rddreg [dreg:$0x0];
	s2 =	stileid.u32  }
0x78: {  	s1 =	rddreg [dreg:$0x1];
	p0 =	sne.s32 s2, $0x0  }
0x79: {  	s3 =	rddreg [dreg:$0x2];
	[bflag:$0x3] =	sbarrier.arrive $0xFFFF;
	s2 =	simm.s32 @!p0 $0x1C01  }
0x7a: {  	[timem:s3], [sflag:s2] =	dma.local @!p0 [hbm:s0], s1  }
0x7b: {  	s0 =	simm.s32 @!p0 $0x1  }
0x7c: {  	_ =	swait.ge @!p0 [sflag:s0], s1  }
0x7d: {  	s1 =	ssub.s32 @!p0 $0x0, s1;
	[sflag:s0] =	ssyncset.done @!p0 $0x0  }
0x7e: {  	[sflag:s0] =	ssyncadd.s32 @!p0 s1  }
0x7f: {  	[bflag:$0x3] =	sbarrier.arrive $0xFFFF  }
0x80: {  	_ =	shalt  }

// kernel: kernel.9.cloned.1.call-start
scs
__scs_entry_jumppad:
0x0: {  	(pc) =	sbr.rel $0x88, $3  }
0x1: {  	(tag) =	ssettag $0x0;
	lr =	simm.s32 $0x1  }
0x2: {  	[smem:$0x3F9D] =	sst lr;
	_ =	strace $0xD0000000  }
0x3: {  	_ = 	snop  }
0x4: {  	_ = 	snop  }
0x5: {  	_ = 	snop  }
0x6: {  	_ = 	snop  }
0x7: {  	_ = 	snop  }
__scs_overlays_trampoline_lowered:
0x8: {  	[smem:$0x3FAC] =	sst s0  }
0x9: {  	[smem:$0x3FAD] =	sst s1  }
0xa: {  	[smem:$0x3FAE] =	sst s2  }
0xb: {  	[smem:$0x3FAF] =	sst s3  }
0xc: {  	[smem:$0x3FB0] =	sst s4  }
0xd: {  	[smem:$0x3FB1] =	sst s5  }
0xe: {  	[smem:$0x3FB2] =	sst s6  }
0xf: {  	[smem:$0x3FB3] =	sst s7  }
0x10: {  	[smem:$0x3FB4] =	sst s8  }
0x11: {  	[smem:$0x3FB5] =	sst s9;
	s0 =	simm.s32 @!p0 $0x0  }
0x12: {  	s1 =	sld [smem:$0x3F9B];
	s0 =	simm.s32 @p0 $0x1  }
0x13: {  	[smem:$0x3FB6] =	sst s0;
	s0 =	simm.s32 @!p1 $0x0  }
0x14: {  	s2 =	sld [smem:$0x3F9A];
	s0 =	simm.s32 @p1 $0x1  }
0x15: {  	[smem:$0x3FB7] =	sst s0;
	s0 =	simm.s32 @!p2 $0x0  }
0x16: {  	s3 =	sld [smem:$0x3FDB];
	s0 =	simm.s32 @p2 $0x1  }
0x17: {  	s4 =	simm.s32 $0x1BF5;
	[smem:$0x3FB9] =	sst s0  }
0x18: {  	s0 =	sld [smem:$0x3F9C];
	_ =	swait.ge [sflag:s4], $0x0  }
0x19: {  	s7 =	sld [smem:$0x3F9D]  }
0x1a: {  	s8 =	sadd.s32 $0xFFFFE003, lr  }
0x1b: {  	s9 =	sadd.s32 $0xFFFFFEF7, lr;
	s5 =	simm.s32 $0xFFFFFFFF;
	p2 =	slt.u32 s8, $0xFFFFF086  }
0x1c: {  	p1 =	slt.u32 s9, $0xF7A;
	s5 =	simm.s32 @!p2 $0x0  }
0x1d: {  	s5 =	simm.s32 @p1 $0x1;
	p0 =	seq.s32 s7, s2  }
0x1e: {  	s7 =	smul.u32 @!p0 $0xF7A, s2;
	p2 =	seq.s32 @!p0 s5, $0x0  }
0x1f: {  	s9 =	smul.u32 $0xF7A, s1;
	s8 =	simm.s32 @!p0 $0x1BF5;
	p2 =	por !p2, p0  }
0x20: {  	[sflag:s8] =	ssyncset.s32 @!p0 $0xFFFFF086;
	s6 =	sadd.s32 @!p0 s3, s7;
	s7 =	simm.s32 @!p0 $0x108  }
0x21: {  	s3 =	sadd.s32 s3, s9;
	s6 =	sadd.s32 @!p0 $0x88, s6;
	s7 =	simm.s32 @p2 $0x1082  }
0x22: {  	[simem:s7], [sflag:s8] =	dma.local @!p0 [hbm:s6], $0xF7A  }
0x23: {  	s9 =	sor.u32 $0xD0000000, s2;
	s6 =	simm.s32 $0x108;
	_ =	swait.ge @!p0 [sflag:s8], $0x0  }
0x24: {  	s3 =	sadd.s32 $0x88, s3;
	s6 =	simm.s32 @!p1 $0x1082;
	[sflag:s4] =	ssyncset.s32 $0xFFFFF086  }
0x25: {  	[simem:s6], [sflag:s4] =	dma.local [hbm:s3], $0xF7A  }
0x26: {  	[smem:$0x3F9D] =	sst s1;
	(tag) =	ssettag s2;
	_ =	strace s9  }
0x27: {  	s1 =	sld [smem:$0x3FAD]  }
0x28: {  	s2 =	sld [smem:$0x3FAE]  }
0x29: {  	s4 =	sld [smem:$0x3FB0]  }
0x2a: {  	p0 =	seq.s32 s5, $0x0;
	s5 =	sld [smem:$0x3FB1]  }
0x2b: {  	s6 =	sld [smem:$0x3FB2]  }
0x2c: {  	s7 =	sld [smem:$0x3FB3]  }
0x2d: {  	s3 =	simm.s32 $0x108;
	s8 =	sld [smem:$0x3FB4]  }
0x2e: {  	s3 =	simm.s32 @!p0 $0x1082;
	s9 =	sld [smem:$0x3FB5]  }
0x2f: {  	lr =	sadd.s32 s0, s3;
	s0 =	sld [smem:$0x3FAC]  }
0x30: {  	s3 =	sld [smem:$0x3FAF]  }
0x31: {  	[smem:$0x3FB8] =	sst s10  }
0x32: {  	s10 =	sld [smem:$0x3FB6];
	_ =	sdelay $0x3  }
0x33: {  	p0 =	seq.s32 s10, $0x1;
	s10 =	sld [smem:$0x3FB8];
	_ =	sdelay $0x3  }
0x34: {  	[smem:$0x3FB8] =	sst s10  }
0x35: {  	s10 =	sld [smem:$0x3FB7];
	_ =	sdelay $0x3  }
0x36: {  	p1 =	seq.s32 s10, $0x1;
	s10 =	sld [smem:$0x3FB8];
	_ =	sdelay $0x3  }
0x37: {  	[smem:$0x3FB8] =	sst s10  }
0x38: {  	s10 =	sld [smem:$0x3FB9]  }
0x39: {  	_ = 	snop;
	(pc) =	sbr.ind lr, $3  }
0x3a: {  	_ = 	snop  }
0x3b: {  	_ = 	snop  }
0x3c: {  	p2 =	seq.s32 s10, $0x1;
	s10 =	sld [smem:$0x3FB8]  }
0x3d: {  	_ =	shalt  }
0x3e: {  	_ =	shalt  }
0x3f: {  	_ =	shalt  }
0x40: {  	_ =	shalt  }
0x41: {  	_ =	shalt  }
0x42: {  	_ =	shalt  }
0x43: {  	_ =	shalt  }
0x44: {  	_ =	shalt  }
0x45: {  	_ =	shalt  }
0x46: {  	_ =	shalt  }
0x47: {  	_ =	shalt  }
0x48: {  	_ =	shalt  }
0x49: {  	_ =	shalt  }
0x4a: {  	_ =	shalt  }
0x4b: {  	_ =	shalt  }
0x4c: {  	_ =	shalt  }
0x4d: {  	_ =	shalt  }
0x4e: {  	_ =	shalt  }
0x4f: {  	_ =	shalt  }
0x50: {  	_ =	shalt  }
0x51: {  	_ =	shalt  }
0x52: {  	_ =	shalt  }
0x53: {  	_ =	shalt  }
0x54: {  	_ =	shalt  }
0x55: {  	_ =	shalt  }
0x56: {  	_ =	shalt  }
0x57: {  	_ =	shalt  }
0x58: {  	_ =	shalt  }
0x59: {  	_ =	shalt  }
0x5a: {  	_ =	shalt  }
0x5b: {  	_ =	shalt  }
0x5c: {  	_ =	shalt  }
0x5d: {  	_ =	shalt  }
0x5e: {  	_ =	shalt  }
0x5f: {  	_ =	shalt  }
0x60: {  	_ =	shalt  }
0x61: {  	_ =	shalt  }
0x62: {  	_ =	shalt  }
0x63: {  	_ =	shalt  }
0x64: {  	_ =	shalt  }
0x65: {  	_ =	shalt  }
0x66: {  	_ =	shalt  }
0x67: {  	_ =	shalt  }
0x68: {  	_ =	shalt  }
0x69: {  	_ =	shalt  }
0x6a: {  	_ =	shalt  }
0x6b: {  	_ =	shalt  }
0x6c: {  	_ =	shalt  }
0x6d: {  	_ =	shalt  }
0x6e: {  	_ =	shalt  }
0x6f: {  	_ =	shalt  }
0x70: {  	_ =	shalt  }
0x71: {  	_ =	shalt  }
0x72: {  	_ =	shalt  }
0x73: {  	_ =	shalt  }
0x74: {  	_ =	shalt  }
0x75: {  	_ =	shalt  }
0x76: {  	_ =	shalt  }
0x77: {  	_ =	shalt  }
0x78: {  	_ =	shalt  }
0x79: {  	_ =	shalt  }
0x7a: {  	_ =	shalt  }
0x7b: {  	_ =	shalt  }
0x7c: {  	_ =	shalt  }
0x7d: {  	_ =	shalt  }
0x7e: {  	_ =	shalt  }
0x7f: {  	_ =	shalt  }
0x80: {  	_ =	shalt  }
0x81: {  	_ =	shalt  }
0x82: {  	_ =	shalt  }
0x83: {  	_ =	shalt  }
0x84: {  	_ =	shalt  }
0x85: {  	_ =	shalt  }
0x86: {  	_ =	shalt  }
0x87: {  	_ =	shalt  }
.Lfunc_end0:
.L_simem_size_0:
called_computation.1_lowered:
.L_overlay_start_0:
0x88: {  	s2 =	sld [smem:$0x3FD9]  }
0x89: {  	s3 =	sld [smem:$0x3FFE];
	_ =	sdelay $0x1  }
0x8a: {  	s1 =	srdreg.scid  }
0x8b: {  	s0 =	sand.u32 $0x1, s1  }
0x8c: {  	s17 =	sshll.u32 s0, $0xA;
	s2 =	sadd.s32 s3, s2  }
0x8d: {  	s2 =	sadd.s32 s2, s17  }
0x8e: {  	[smem:$0x3FC4] =	sst s2  }
0x8f: {  	_ = 	snop  }
0x90: {  	(tm) =	ssettm $0x1  }
0x91: {  	s18 =	sld [smem:$0x3FFB];
	_ =	sdelay $0x3  }
0x92: {  	_ =	strace s18  }
0x93: {  	s2 =	sld [smem:$0x3FFC];
	_ =	sdelay $0x3  }
0x94: {  	_ =	strace s2  }
0x95: {  	s2 =	sld [smem:$0x3FFD];
	_ =	sdelay $0x3  }
0x96: {  	_ =	strace s2  }
0x97: {  	_ =	strace $0x8FFFFFFF  }
0x98: {  	s19 =	sld [smem:$0x3FDB];
	_ =	sdelay $0x1  }
0x99: {  	s20 =	simm.s32 $_scs_section_size  }
0x9a: {  	s4 =	simm.s32 $_size__tile_overlayer_lowered;
	s5 =	simm.s32 $_tile_overlayer_lowered  }
0x9b: {  	s6 =	simm.s32 $0x1BFF;
	s21 =	sshll.u32 s5, $0x1;
	s3 =	sadd.s32 s20, s19  }
0x9c: {  	s22 =	simm.s32 $0x0;
	s4 =	sshll.u32 s4, $0x1;
	s5 =	sadd.s32 s21, s3  }
0x9d: {  	[timem:s22], [sflag:s6] =	dma.local [hbm:s5], s4  }
0x9e: {  	_ =	swait.ge [sflag:s6], s4  }
0x9f: {  	s4 =	ssub.s32 $0x0, s4;
	[sflag:s6] =	ssyncset.done $0x0  }
0xa0: {  	[sflag:s6] =	ssyncadd.s32 s4;
	_ =	sdelay $0x1  }
0xa1: {  	s23 =	simm.s32 $0x1B8B  }
0xa2: {  	_ =	swait.ge [sflag:s23], $0x1  }
0xa3: {  	[sflag:s23] =	ssyncset.done $0x0  }
0xa4: {  	[sflag:s23] =	ssyncadd.s32 $0xFFFFFFFF  }
0xa5: {  	s4 =	sld [smem:$0x0]  }
0xa6: {  	s5 =	sand.u32 $0xFFFFFFFE, s1  }
0xa7: {  	p0 =	sne.s32 s1, s5  }
0xa8: {  	s5 =	sshll.u32 @p0 s5, $0xE  }
0xa9: {  	s5 =	sadd.s32 @p0 $0x11B8D, s5;
	s6 =	sshll.u32 @p0 s4, $0x11  }
0xaa: {  	s5 =	sor.u32 @p0 s6, s5  }
0xab: {  	[sflag:s5] =	ssyncadd.remote.s32 @p0 $0x1;
	_ =	sdelay $0x1  }
0xac: {  	s5 =	simm.s32 @p0 $0x1B8D  }
0xad: {  	_ =	swait.eq @p0 [sflag:s5], $0x1  }
0xae: {  	[sflag:s5] =	ssyncadd.s32 @p0 $0xFFFFFFFF  }
0xaf: {  	s6 =	sshll.u32 @!p0 s1, $0xE  }
0xb0: {  	s6 =	sor.u32 @!p0 $0x4000, s6;
	s5 =	simm.s32 @!p0 $0x1B8D  }
0xb1: {  	s4 =	sshll.u32 @!p0 s4, $0x11;
	s6 =	sadd.s32 @!p0 $0x11B8D, s6;
	_ =	swait.eq @!p0 [sflag:s5], $0x1  }
0xb2: {  	s4 =	sor.u32 @!p0 s4, s6;
	[sflag:s5] =	ssyncadd.s32 @!p0 $0xFFFFFFFF  }
0xb3: {  	s25 =	simm.s32 $0x1B8E;
	s24 =	sld [smem:$0x3FFE];
	[sflag:s4] =	ssyncadd.remote.s32 @!p0 $0x1  }
0xb4: {  	s26 =	simm.s32 $execute0_lowered;
	[smem:$0x3FD2] =	sst s25  }
0xb5: {  	s5 =	sshll.u32 s26, $0x1;
	_ =	strace $0x80000050;
	[dreg:$0x1] =	wrdreg $0xFFFFFFFF  }
0xb6: {  	s28 =	simm.s32 $_size_execute0_lowered;
	s3 =	sadd.s32 s3, s5;
	[dreg:$0x0] =	wrdreg $0x0  }
0xb7: {  	s5 =	sshll.u32 s28, $0x1;
	[dreg:$0x2] =	wrdreg s3  }
0xb8: {  	[dreg:$0x3] =	wrdreg s5  }
0xb9: {  	[dreg:$0x4] =	wrdreg $0xC0  }
0xba: {  	_ =	task [dreg:s22], $0x5FFFF  }
0xbb: {  	[dreg:$0x1] =	wrdreg $0xFFFFFFFF  }
0xbc: {  	[dreg:$0x0] =	wrdreg $0x60  }
0xbd: {  	[dreg:$0x2] =	wrdreg s24  }
0xbe: {  	[dreg:$0x3] =	wrdreg $0x0  }
0xbf: {  	[dreg:$0x4] =	wrdreg $0xA  }
0xc0: {  	_ =	task.clear_ibuf [dreg:s22], $0x5FFFF;
	_ =	strace $0x90000050  }
0xc1: {  	s29 =	simm.s32 $0xA;
	_ =	strace $0x80000059  }
0xc2: {  	_ =	swait.ge [sflag:s29], $0x1  }
0xc3: {  	[sflag:s29] =	ssyncadd.s32 $0xFFFFFFFF  }
0xc4: {  	_ =	strace $0x90000059  }
0xc5: {  	_ =	sfence  }
0xc6: {  	s30 =	sld [smem:$0x0];
	_ =	sdelay $0x2  }
0xc7: {  	s31 =	sshll.u32 s1, $0xD;
	s1 =	sshrl.u32 s1, $0x2  }
0xc8: {  	s4 =	sand.u32 $0x4000, s31;
	s1 =	sadd.s32 s1, s30  }
0xc9: {  	s0 =	sor.u32 s4, s0;
	s1 =	sshll.u32 s1, $0x11  }
0xca: {  	s0 =	sor.u32 s1, s0  }
0xcb: {  	s0 =	sadd.s32 $0x8F2B, s0  }
0xcc: {  	[sflag:s0] =	ssyncadd.remote.s32 $0x1  }
0xcd: {  	_ =	sfence.sel $0xFFFF  }
0xce: {  	[dreg:$0x0] =	wrdreg $0xFFFFFFFF;
	(pc) =	sbr.abs _section_cstart, $3  }
0xcf: {  	[dreg:$0x1] =	wrdreg $0xFFFFFFFF  }
0xd0: {  	_ =	task.clear_ibuf [dreg:s22], $0x2FFFF;
	_ =	strace $0x9FFFFFFF  }
0xd1: {  	(tm) =	ssettm $0x7FFFFFFF  }
tec
execute0_lowered:
.L_overlay_start_1:
0x0: {  	(tag) =	ssettag $0x1  }
0x1: {  	s4 =	rddreg [dreg:$0x0]  }
0x2: {  	s1 =	rddreg [dreg:$0x1]  }
0x3: {  	s2 =	simm.s32 $0x0;
	s3 =	srdreg.scid;
	s7 =	stileid.u32  }
0x4: {  	s11 =	simm.s32 $0x200;
	s12 =	simm.s32 $0x4;
	s13 =	simm.s32 $0x0  }
0x5: {  	[smem:$0x7FF] =	sst s2;
	s5 =	sand.u32 $0x1, s3;
	s3 =	sadd.s32 $0x1000, s4  }
0x6: {  	s8 =	sadd.s32 $0x1A000, s4;
	s0 =	sadd.s32 $0xE00, s4;
	p0 =	sne.s32 s7, $0x0  }
0x7: {  	_ =	strace $0x80000051;
	s6 =	sshll.u32 s5, $0x4;
	[dreg:$0x5] =	wrdreg s0  }
0x8: {  	s5 =	ssub.s32 $0x2, s5;
	[dreg:$0x4] =	wrdreg s8;
	s6 =	sor.u32 s7, s6  }
0x9: {  	s8 =	sshrl.u32 @!p0 s1, $0x3;
	s9 =	sshrl.u32 s5, $0x1;
	s10 =	smul.u32 $0xC80, s6  }
0xa: {  	[dreg:$0x3] =	wrdreg s11;
	s11 =	simm.s32 $0x5;
	s31 =	ssub.s32 s5, s9  }
0xb: {  	s5 =	smul.u32 $0x32, s6;
	s7 =	smax.u32 s31, $0x1;
	s6 =	sadd.s32 s3, s10  }
.LBB2_1:
0xc: {  	s14 =	simm.s32 @!p0 $0x1C01  }
0xd: {  	s0 =	rddreg [dreg:$0x5];
	s22 =	simm.s32 $0x68;
	s15 =	simm.s32 $0x1  }
0xe: {  	[spmem:s8], [sflag:s14] =	dma.local @!p0 [hbm:s0], $0xC8  }
0xf: {  	p1 =	por $0x0, $0x0;
	p2 =	por $0x1, $0x1;
	s14 =	simm.s32 @!p0 $0x1  }
0x10: {  	s24 =	sand.u32 $0x1, s2;
	s15 =	simm.s32 @p1 $0x0;
	_ =	swait.ge @!p0 [sflag:s14], $0xC8  }
0x11: {  	s25 =	simm.s32 $0x0;
	p1 =	sne.s32 s15, $0x0;
	[sflag:s14] =	ssyncset.done @!p0 $0x0  }
0x12: {  	p4 =	por $0x0, $0x0;
	p2 =	por !p2, !p1;
	[sflag:s14] =	ssyncadd.s32 @!p0 $0xFFFFFF38  }
0x13: {  	s0 =	simm.s32 $0x1;
	p3 =	por !p2, !p2;
	[bflag:$0x0] =	sbarrier.arrive $0xFFFF  }
0x14: {  	s14 =	sadd.s32 @p3 s5, s15;
	s16 =	sand.u32 @p3 $0x1, s0;
	s18 =	simm.s32 @p3 $0x0  }
0x15: {  	_ =	strace $0x80000052;
	s14 =	sshll.u32 @p3 s14, $0x6;
	s17 =	sshll.u32 @p3 s16, $0x9  }
0x16: {  	[tilespmem:s22], [sflag:$0x1] =	stream.linear.gather [hbm4b:s6+s2], $0x200, $0x200038;
	[tilespmem:$0x10468] =	vst v63  }
0x17: {  	s16 =	sadd.s32 @p3 $0x1, s16;
	s14 =	sand.u32 @p3 $0x1FFFFFC0, s14;
	_ =	strace $0x90000052  }
0x18: {  	s17 =	sor.u32 @p3 $0x68, s17;
	s14 =	sadd.s32 @p3 s3, s14;
	_ =	strace @p3 $0x80000053  }
0x19: {  	[tilespmem:s17], [sflag:s16] =	stream.linear.gather @p3 [hbm4b:s14+s18], $0x200, $0x200038;
	[tilespmem:$0x10468] =	vst v63  }
0x1a: {  	p6 =	por $0x0, $0x0;
	s23 =	sadd.s32 $0x1, s24;
	_ =	strace @p3 $0x90000053  }
0x1b: {  	s26 =	sand.u32 $0x200, s25;
	s21 =	sshll.u32 s24, $0xF;
	_ =	strace $0x80000054  }
0x1c: {  	s19 =	sadd.s32 $0x0, s5;
	s25 =	sor.u32 $0x468, s21;
	_ =	swait.ge [sflag:s23], $0x200  }
0x1d: {  	s21 =	simm.s32 $0x0;
	p2 =	por $0x1, $0x1;
	[sflag:s23] =	ssyncset.done $0x0  }
0x1e: {  	s14 =	simm.s32 $0x31;
	s17 =	simm.s32 $0x30;
	[sflag:s23] =	ssyncadd.s32 $0xFFFFFE00  }
0x1f: {  	s18 =	sand.u32 @!p2 $0x1, s2;
	p2 =	por p2, p2;
	_ =	strace $0x90000054  }
0x20: {  	s16 =	sor.u32 $0x68, s26;
	s26 =	simm.s32 $0x1;
	_ =	strace $0x80000055  }
0x21: {  	s22 =	sadd.s32 @!p2 $0x3, s18;
	s18 =	simm.s32 $0x1;
	s20 =	rddreg [dreg:$0x3]  }
0x22: {  	[tilespmem:s25], [sflag:$0x5] =	stream.indirect.gather [spmem:s1], $0x40, s16, s20, $0x2000b8;
	[tilespmem:$0x10468] =	vst v63  }
0x23: {  	s18 =	simm.s32 @!p4 $0x0;
	s20 =	sadd.s32 $0x1, s15;
	s16 =	simm.s32 $0x1  }
0x24: {  	_ =	swait.ge [sflag:s11], $0x8000;
	p5 =	seq.s32 s20, $0x32;
	s16 =	simm.s32 @!p3 $0x0  }
0x25: {  	[sflag:s11] =	ssyncset.done $0x0;
	s20 =	simm.s32 @p5 $0x0;
	p5 =	por p6, p1  }
0x26: {  	p6 =	por $0x1, $0x1;
	s23 =	sadd.s32 $0x1, s16;
	s16 =	simm.s32 $0x0  }
0x27: {  	[sflag:s11] =	ssyncadd.s32 $0xFFFF8000;
	p1 =	sne.s32 s15, s20;
	s28 =	sshll.u32 @p5 s19, $0xC  }
0x28: {  	s26 =	simm.s32 @!p5 $0x0;
	p3 =	por !p6, !p1;
	_ =	strace $0x90000055  }
0x29: {  	s19 =	simm.s32 $0x0;
	p3 =	por !p3, !p3;
	_ =	strace @p5 $0x80000056  }
0x2a: {  	s29 =	sand.u32 @p3 $0x1, s23;
	s31 =	sadd.s32 @p3 s5, s20;
	s30 =	rddreg [dreg:$0x4]  }
.LBB2_2:
0x2b: {  	s31 =	sshll.u32 @p3 s31, $0x6;
	s0 =	sand.u32 @p5 $0x1FFFF000, s28;
	s9 =	simm.s32 @p5 $0x0  }
0x2c: {  	s28 =	smov.u32 s14;
	s14 =	smov.u32 s17;
	s10 =	smov.u32 s15  }
0x2d: {  	s15 =	sshll.u32 @p3 s29, $0x9;
	s24 =	sadd.s32 @p5 $0x3, s24;
	s19 =	sadd.s32 s26, s19  }
0x2e: {  	s21 =	sadd.s32 s26, s21;
	s17 =	sadd.s32 $0xFFFFFFFF, s17;
	s0 =	sadd.s32 @p5 s30, s0  }
0x2f: {  	[hbm4b:s0+s9] =	stream.linear.scatter @p5 [tilespmem:s25], [sflag:s24], $0x8000, $0x200038;
	[tilespmem:$0x10468] =	vst v63  }
0x30: {  	s16 =	sadd.s32 s18, s16;
	s31 =	sand.u32 @p3 $0x1FFFFFC0, s31;
	_ =	strace @p5 $0x90000056  }
0x31: {  	s4 =	sor.u32 @p3 $0x68, s15;
	s26 =	sand.u32 $0x1, s21;
	_ =	strace @!p2 $0x80000057  }
0x32: {  	p4 =	sne.s32 s17, $0x0;
	s15 =	smov.u32 s20;
	_ =	swait.ge @!p2 [sflag:s22], $0x8000  }
0x33: {  	s20 =	sadd.s32 $0x1, s20;
	s31 =	sadd.s32 @p3 s3, s31;
	[sflag:s22] =	ssyncset.done @!p2 $0x0  }
0x34: {  	s25 =	sshll.u32 s21, $0x9;
	s24 =	simm.s32 @p3 $0x0;
	[sflag:s22] =	ssyncadd.s32 @!p2 $0xFFFF8000  }
0x35: {  	s0 =	sadd.s32 $0x1, s26;
	p6 =	seq.s32 s20, $0x32;
	_ =	strace @!p2 $0x90000057  }
0x36: {  	s9 =	sand.u32 $0x200, s25;
	s22 =	sadd.s32 @p3 $0x1, s29;
	_ =	strace @p3 $0x80000053  }
0x37: {  	[tilespmem:s4], [sflag:s22] =	stream.linear.gather @p3 [hbm4b:s31+s24], $0x200, $0x200038;
	[tilespmem:$0x10468] =	vst v63  }
0x38: {  	p5 =	seq.s32 s28, $0x32;
	s20 =	simm.s32 @p6 $0x0;
	_ =	strace @p3 $0x90000053  }
0x39: {  	p6 =	sne.s32 s14, $0x1;
	s18 =	sand.u32 @!p5 $0x1, s16;
	_ =	strace $0x80000054  }
0x3a: {  	s9 =	sor.u32 $0x68, s9;
	p2 =	por p5, p5;
	_ =	swait.ge [sflag:s0], $0x200  }
0x3b: {  	p5 =	sne.s32 s28, $0x32;
	s24 =	sand.u32 $0x1, s19;
	[sflag:s0] =	ssyncset.done $0x0  }
0x3c: {  	s22 =	sadd.s32 @!p2 $0x3, s18;
	s18 =	simm.s32 $0x1;
	[sflag:s0] =	ssyncadd.s32 $0xFFFFFE00  }
0x3d: {  	s26 =	sshll.u32 s24, $0xF;
	s18 =	simm.s32 @!p5 $0x0;
	_ =	strace $0x90000054  }
0x3e: {  	p5 =	seq.s32 s28, $0x1;
	s25 =	sor.u32 $0x468, s26;
	_ =	strace $0x80000055  }
0x3f: {  	p5 =	por p5, p1;
	s26 =	simm.s32 $0x1;
	s4 =	rddreg [dreg:$0x3]  }
0x40: {  	[tilespmem:s25], [sflag:$0x5] =	stream.indirect.gather [spmem:s1], $0x40, s9, s4, $0x2000b8;
	[tilespmem:$0x10468] =	vst v63  }
0x41: {  	p1 =	sne.s32 s15, s20;
	s26 =	simm.s32 @!p5 $0x0;
	_ =	swait.ge [sflag:s11], $0x8000  }
.Ltmp0:
0x42: {  	s0 =	sadd.s32 s5, s10;
	[sflag:s11] =	ssyncset.done $0x0;
	(pc) =	sbr.rel @p4 .LBB2_2-.Ltmp0, $4  }
0x43: {  	s28 =	sshll.u32 @p5 s0, $0xC;
	s4 =	simm.s32 $0x1;
	[sflag:s11] =	ssyncadd.s32 $0xFFFF8000  }
0x44: {  	s4 =	simm.s32 @!p3 $0x0;
	p3 =	por !p6, !p1;
	_ =	strace $0x90000055  }
0x45: {  	p3 =	por !p3, !p3;
	s23 =	sadd.s32 s4, s23;
	_ =	strace @p5 $0x80000056  }
0x46: {  	s29 =	sand.u32 @p3 $0x1, s23;
	s31 =	sadd.s32 @p3 s5, s20;
	s30 =	rddreg [dreg:$0x4]  }
0x47: {  	s0 =	sand.u32 @p5 $0x1FFFF000, s28  }
0x48: {  	s4 =	simm.s32 @p5 $0x0;
	s9 =	sadd.s32 @p5 $0x3, s24;
	s0 =	sadd.s32 @p5 s30, s0  }
0x49: {  	[hbm4b:s0+s4] =	stream.linear.scatter @p5 [tilespmem:s25], [sflag:s9], $0x8000, $0x200038;
	[tilespmem:$0x10468] =	vst v63  }
0x4a: {  	_ =	strace @p5 $0x90000056  }
0x4b: {  	_ =	strace @!p2 $0x80000057  }
0x4c: {  	_ =	swait.ge @!p2 [sflag:s22], $0x8000  }
0x4d: {  	s24 =	sadd.s32 s26, s21;
	s10 =	sadd.s32 @p3 $0x1, s29;
	[sflag:s22] =	ssyncset.done @!p2 $0x0  }
0x4e: {  	s0 =	sshll.u32 @p3 s31, $0x6;
	s4 =	sshll.u32 @p3 s29, $0x9;
	[sflag:s22] =	ssyncadd.s32 @!p2 $0xFFFF8000  }
0x4f: {  	s17 =	simm.s32 @p3 $0x0;
	s0 =	sand.u32 @p3 $0x1FFFFFC0, s0;
	_ =	strace @!p2 $0x90000057  }
0x50: {  	s4 =	sor.u32 @p3 $0x68, s4;
	s0 =	sadd.s32 @p3 s3, s0;
	_ =	strace @p3 $0x80000053  }
0x51: {  	[tilespmem:s4], [sflag:s10] =	stream.linear.gather @p3 [hbm4b:s0+s17], $0x200, $0x200038;
	[tilespmem:$0x10468] =	vst v63  }
0x52: {  	s25 =	sand.u32 $0x1, s24;
	_ =	strace @p3 $0x90000053  }
0x53: {  	s0 =	sadd.s32 $0x1, s25;
	_ =	strace $0x80000054  }
0x54: {  	_ =	swait.ge [sflag:s0], $0x200  }
0x55: {  	[sflag:s0] =	ssyncset.done $0x0  }
0x56: {  	s28 =	sadd.s32 s26, s19;
	[sflag:s0] =	ssyncadd.s32 $0xFFFFFE00  }
0x57: {  	s29 =	sshll.u32 s24, $0x9;
	s0 =	sand.u32 $0x1, s28;
	_ =	strace $0x90000054  }
0x58: {  	s4 =	sand.u32 $0x200, s29;
	s31 =	sshll.u32 s0, $0xF;
	_ =	strace $0x80000055  }
0x59: {  	s4 =	sor.u32 $0x68, s4;
	s10 =	sor.u32 $0x468, s31;
	s30 =	rddreg [dreg:$0x3]  }
0x5a: {  	[tilespmem:s10], [sflag:$0x5] =	stream.indirect.gather [spmem:s1], $0x40, s4, s30, $0x2000b8;
	[tilespmem:$0x10468] =	vst v63  }
0x5b: {  	_ =	swait.ge [sflag:s11], $0x8000  }
0x5c: {  	[sflag:s11] =	ssyncset.done $0x0  }
0x5d: {  	p6 =	seq.s32 s14, $0x1;
	[sflag:s11] =	ssyncadd.s32 $0xFFFF8000  }
0x5e: {  	p1 =	por p6, p1;
	s4 =	sadd.s32 s5, s15;
	_ =	strace $0x90000055  }
0x5f: {  	p2 =	seq.s32 s14, $0x32;
	s4 =	sshll.u32 @p1 s4, $0xC;
	_ =	strace @p1 $0x80000056  }
0x60: {  	s14 =	sadd.s32 s18, s16;
	s4 =	sand.u32 @p1 $0x1FFFF000, s4;
	s9 =	rddreg [dreg:$0x4]  }
0x61: {  	s0 =	sadd.s32 @p1 $0x3, s0;
	s15 =	simm.s32 @p1 $0x0;
	s4 =	sadd.s32 @p1 s9, s4  }
0x62: {  	[hbm4b:s4+s15] =	stream.linear.scatter @p1 [tilespmem:s10], [sflag:s0], $0x8000, $0x200038;
	[tilespmem:$0x10468] =	vst v63  }
0x63: {  	s0 =	sand.u32 @!p2 $0x1, s14;
	p2 =	por p2, p2;
	_ =	strace @p1 $0x90000056  }
0x64: {  	s0 =	sadd.s32 @!p2 $0x3, s0;
	_ =	strace @!p2 $0x80000057  }
0x65: {  	_ =	swait.ge @!p2 [sflag:s0], $0x8000  }
0x66: {  	[sflag:s0] =	ssyncset.done @!p2 $0x0  }
0x67: {  	s13 =	sadd.s32 $0x1, s13;
	[sflag:s0] =	ssyncadd.s32 @!p2 $0xFFFF8000  }
0x68: {  	p1 =	sne.s32 s13, s7;
	_ =	strace @!p2 $0x90000057  }
.Ltmp1:
0x69: {  	_ =	strace $0x80000058;
	(pc) =	sbr.rel @p1 .LBB2_1-.Ltmp1, $4  }
0x6a: {  	_ =	swait.ge [sflag:s12], $0x8000  }
0x6b: {  	[sflag:s12] =	ssyncset.done $0x0  }
0x6c: {  	[sflag:s12] =	ssyncadd.s32 $0xFFFF8000  }
0x6d: {  	_ =	strace $0x90000058  }
0x6e: {  	_ =	sfence.sel $0x180000  }
0x6f: {  	[bflag:$0x0] =	sbarrier.arrive $0xFFFF  }
0x70: {  	_ =	strace $0x90000051  }
0x71: {  	[bflag:$0x2] =	sbarrier.arrive $0xFFFF  }
0x72: {  	s0 =	rddreg [dreg:$0x2]  }
0x73: {  	s0 =	sadd.s32 @!p0 $0x100000, s0  }
0x74: {  	[sflag:s0] =	ssyncadd.tile.s32 @!p0 $0x1;
	_ =	shalt  }
.Lfunc_end2:
_tile_overlayer_lowered:
.L_overlay_start_2:
0x75: {  	(tag) =	ssettag $0x2  }
0x76: {  	s0 =	rddreg [dreg:$0x0];
	s2 =	stileid.u32  }
0x77: {  	s1 =	rddreg [dreg:$0x1];
	p0 =	sne.s32 s2, $0x0  }
0x78: {  	s3 =	rddreg [dreg:$0x2];
	[bflag:$0x3] =	sbarrier.arrive $0xFFFF;
	s2 =	simm.s32 @!p0 $0x1C01  }
0x79: {  	[timem:s3], [sflag:s2] =	dma.local @!p0 [hbm:s0], s1  }
0x7a: {  	s0 =	simm.s32 @!p0 $0x1  }
0x7b: {  	_ =	swait.ge @!p0 [sflag:s0], s1  }
0x7c: {  	s1 =	ssub.s32 @!p0 $0x0, s1;
	[sflag:s0] =	ssyncset.done @!p0 $0x0  }
0x7d: {  	[sflag:s0] =	ssyncadd.s32 @!p0 s1  }
0x7e: {  	[bflag:$0x3] =	sbarrier.arrive $0xFFFF  }
0x7f: {  	_ =	shalt  }

</sc_bundles>
